<compile_context>
chip_gen: v7x
topology: tpu7x:2x2x1
jax: 0.10.2.dev20260603
libtpu: 0.0.44.dev20260713+nightly
codegen_flags: <defaults>
</compile_context>

<pallas_src>
import functools
import jax
import jax.numpy as jnp
from jax import lax
from jax.experimental import pallas as pl
from jax.experimental.pallas import tpu as pltpu
from jax.experimental.pallas import tpu_sc as plsc

NWORD = 100000
NFIXED = 80000
NTUNED = NWORD - NFIXED
VSIZE = 64
EXTRA = 64
DIM = VSIZE + EXTRA
LANES = 16
NC, NS = 2, 16
NW = NC * NS
SUB = 128
RBLK_F = 8000
RBLK_T = 4000


def _build_fixed_body(fixed_b, vec_b, out_b):
    out_b[:, :VSIZE] = fixed_b[...]
    out_b[:, VSIZE:] = vec_b[...]


def _build_tuned_body(_, tuned_b, vec_b, out_b):
    out_b[:, :VSIZE] = tuned_b[...]
    out_b[:, VSIZE:] = vec_b[...]


def _build_full_table(fixed_weight, tuned_weight, tuned_vector):
    part = pl.pallas_call(
        _build_fixed_body,
        grid=(NFIXED // RBLK_F,),
        in_specs=[
            pl.BlockSpec((RBLK_F, VSIZE), lambda i: (i, 0)),
            pl.BlockSpec((RBLK_F, EXTRA), lambda i: (i, 0)),
        ],
        out_specs=pl.BlockSpec((RBLK_F, DIM), lambda i: (i, 0)),
        out_shape=jax.ShapeDtypeStruct((NWORD, DIM), jnp.float32),
    )(fixed_weight, tuned_vector)
    nbf = NFIXED // RBLK_T
    return pl.pallas_call(
        _build_tuned_body,
        grid=(NTUNED // RBLK_T,),
        in_specs=[
            pl.BlockSpec(memory_space=pltpu.MemorySpace.HBM),
            pl.BlockSpec((RBLK_T, VSIZE), lambda i: (i, 0)),
            pl.BlockSpec((RBLK_T, EXTRA), lambda i: (nbf + i, 0)),
        ],
        out_specs=pl.BlockSpec((RBLK_T, DIM), lambda i: (nbf + i, 0)),
        out_shape=jax.ShapeDtypeStruct((NWORD, DIM), jnp.float32),
        input_output_aliases={0: 0},
    )(part, tuned_weight, tuned_vector)


def kernel(X, fixed_weight, tuned_weight, tuned_vector, perm):
    B, L = X.shape
    N = B * L
    per_w = N // NW
    n_sub = per_w // SUB
    Xf = X.reshape(N)

    mesh = plsc.VectorSubcoreMesh(core_axis_name="c", subcore_axis_name="s")
    sc_params = pltpu.CompilerParams(use_tc_tiling_on_sc=False,
                                     needs_layout_passes=False)
    HALF = NWORD // 2

    @functools.partial(
        pl.kernel,
        out_type=jax.ShapeDtypeStruct((N,), jnp.int32),
        mesh=mesh,
        scratch_types=[pltpu.VMEM((per_w,), jnp.int32),
                       pltpu.SemaphoreType.DMA,
                       pltpu.SemaphoreType.DMA,
                       pltpu.SemaphoreType.DMA],
        compiler_params=sc_params,
    )
    def _remap(x_hbm, perm_hbm, iv_hbm, iv, sp0, sp1, sx):
        wid = lax.axis_index("s") * NC + lax.axis_index("c")
        base = wid * per_w

        def body(p0, p1, xv):
            c0 = pltpu.async_copy(perm_hbm.at[pl.ds(0, HALF)], p0, sp0)
            c1 = pltpu.async_copy(perm_hbm.at[pl.ds(HALF, HALF)], p1, sp1)
            cx = pltpu.async_copy(x_hbm.at[pl.ds(base, per_w)], xv, sx)
            cx.wait()
            c0.wait()

            def remap_h0(i):
                xi = xv[pl.ds(i, LANES)]
                idx_c = jnp.minimum(xi, HALF - 1)
                g = plsc.load_gather(p0, [idx_c])
                iv[pl.ds(i, LANES)] = jnp.where(xi < HALF, g, 0)

            pl.loop(0, per_w, step=LANES, unroll=4)(remap_h0)
            c1.wait()

            def remap_h1(i):
                xi = xv[pl.ds(i, LANES)]
                rel = xi - HALF
                idx_c = jnp.maximum(rel, 0)
                g = plsc.load_gather(p1, [idx_c])
                iv[pl.ds(i, LANES)] = jnp.where(
                    rel >= 0, g, iv[pl.ds(i, LANES)])

            pl.loop(0, per_w, step=LANES, unroll=4)(remap_h1)
            pltpu.sync_copy(iv, iv_hbm.at[pl.ds(base, per_w)])

        pl.run_scoped(body,
                      pltpu.VMEM((HALF,), jnp.int32),
                      pltpu.VMEM((HALF,), jnp.int32),
                      pltpu.VMEM((per_w,), jnp.int32))

    iv_all = _remap(Xf, perm)
    full = _build_full_table(fixed_weight, tuned_weight, tuned_vector)

    @functools.partial(
        pl.kernel,
        out_type=jax.ShapeDtypeStruct((N, DIM), jnp.float32),
        mesh=mesh,
        scratch_types=[
            pltpu.VMEM((per_w,), jnp.int32),
            pltpu.VMEM((SUB, DIM), jnp.float32),
            pltpu.VMEM((SUB, DIM), jnp.float32),
            pltpu.SemaphoreType.DMA,
            pltpu.SemaphoreType.DMA,
            pltpu.SemaphoreType.DMA,
            pltpu.SemaphoreType.DMA,
        ],
        compiler_params=sc_params,
    )
    def _emb(iv_hbm, table_hbm, out_hbm, iv, buf0, buf1, g0, g1, w0, w1):
        wid = lax.axis_index("s") * NC + lax.axis_index("c")
        base = wid * per_w
        pltpu.sync_copy(iv_hbm.at[pl.ds(base, per_w)], iv)

        def start_g(c, buf, sem):
            pltpu.async_copy(table_hbm.at[iv.at[pl.ds(c * SUB, SUB)]],
                             buf, sem)

        def wait_g(buf, sem):
            pltpu.make_async_copy(table_hbm.at[iv.at[pl.ds(0, SUB)]],
                                  buf, sem).wait()

        def start_w(c, buf, sem):
            pltpu.async_copy(buf, out_hbm.at[pl.ds(base + c * SUB, SUB)],
                             sem)

        def wait_w(buf, sem):
            pltpu.make_async_copy(buf, out_hbm.at[pl.ds(0, SUB)],
                                  sem).wait()

        start_g(0, buf0, g0)
        wait_g(buf0, g0)
        start_g(1, buf1, g1)
        start_w(0, buf0, w0)

        @pl.loop(1, n_sub - 1, step=2)
        def _(c):
            wait_g(buf1, g1)
            wait_w(buf0, w0)
            start_g(c + 1, buf0, g0)
            start_w(c, buf1, w1)
            wait_g(buf0, g0)
            wait_w(buf1, w1)
            start_g(c + 2, buf1, g1)
            start_w(c + 1, buf0, w0)

        wait_g(buf1, g1)
        wait_w(buf0, w0)
        start_w(n_sub - 1, buf1, w1)
        wait_w(buf1, w1)

    out = _emb(iv_all, full)
    return out.reshape(B, L, DIM)

# --- scband reference (transcript-rebuilt; emitter-appended) ---
"""Pipeline reference for scband-partially-fixed-embedding-47150150976058 (READ-ONLY COPY).

The authoritative reference and input builder live on the scoring server;
editing this copy changes nothing except your own understanding.
"""

import jax, jax.numpy as jnp
import numpy as np

NWORD = 100000      # vocab size
VSIZE = 64          # word2vec vector_size
NFIXED = 80000      # words found in pretrained w2v (frozen rows)
NTUNED = NWORD - NFIXED
EXTRA = 128 - VSIZE # tuned_vector dim = dim - vector_size
B, L = 1024, 200


def setup_inputs(seed: int = 0) -> dict:
    key = jax.random.key(seed)
    k1, k2, k3, k4, k5 = jax.random.split(key, 5)
    # token indices (original vocab index space)
    X = jax.random.randint(k1, (B, L), 0, NWORD, dtype=jnp.int32)
    # frozen pretrained rows (registered buffer, first NFIXED rows of `weight`)
    fixed_weight = jax.random.normal(k2, (NFIXED, VSIZE), dtype=jnp.float32)
    # trainable rows for OOV words (kaiming-uniform-ish init)
    bound = float(np.sqrt(6.0 / VSIZE))
    tuned_weight = jax.random.uniform(k3, (NTUNED, VSIZE), dtype=jnp.float32,
                                      minval=-bound, maxval=bound)
    # trainable extra dims concatenated to every row
    bound2 = float(np.sqrt(6.0 / max(EXTRA, 1)))
    tuned_vector = jax.random.uniform(k4, (NWORD, EXTRA), dtype=jnp.float32,
                                      minval=-bound2, maxval=bound2)
    # idx_mapping: permutation sending original idx -> rearranged idx (fixed first, tuned after)
    perm = jax.random.permutation(k5, NWORD).astype(jnp.int32)
    return {"X": X, "fixed_weight": fixed_weight, "tuned_weight": tuned_weight,
            "tuned_vector": tuned_vector, "perm": perm}


def reference(X, fixed_weight, tuned_weight, tuned_vector, perm):
    # weight[:n_fixed] is the frozen buffer; weight[n_fixed:] = tuned_weight each fwd
    weight = jnp.concatenate([fixed_weight, tuned_weight], axis=0)       # [NWORD, VSIZE]
    # concat trainable extra dims along feature axis
    full = jnp.concatenate([weight, tuned_vector], axis=-1)              # [NWORD, VSIZE+EXTRA]
    # reindex: X.apply_(idx_mapping.get) == gather through the permutation
    Xm = jnp.take(perm, X, axis=0)                                       # [B, L]
    # F.embedding == row gather
    return jnp.take(full, Xm, axis=0)                                    # [B, L, 128]

if __name__ == "__main__":
    import jax
    _d = setup_inputs()
    print(jax.jit(kernel)(*tuple(_d.values())))

</pallas_src>

<mosaic_0001>
#map = affine_map<(d0, d1) -> (0)>
module attributes {stable_mosaic.version = 14 : i64} {
  func.func @_remap(%arg0: i32, %arg1: i32, %arg2: memref<204800xi32, #tpu.memory_space<hbm>>, %arg3: memref<100000xi32, #tpu.memory_space<hbm>>, %arg4: memref<204800xi32, #tpu.memory_space<hbm>>, %arg5: memref<6400xi32, #tpu.memory_space<vmem>>, %arg6: memref<!tpu.dma_semaphore, #tpu.memory_space<semaphore_mem>>, %arg7: memref<!tpu.dma_semaphore, #tpu.memory_space<semaphore_mem>>, %arg8: memref<!tpu.dma_semaphore, #tpu.memory_space<semaphore_mem>>) attributes {dimension_semantics = [#tpu.dimension_semantics<core_parallel>, #tpu.dimension_semantics<subcore_parallel>], iteration_bounds = array<i64: 2, 16>, scalar_prefetch = 0 : i64, scratch_operands = 4 : i64, tpu.core_type = #tpu.core_type<sc_vector_subcore>, window_params = [{transform_indices = #map}, {transform_indices = #map}, {transform_indices = #map}]} {
    %mul3A = arith.constant 2 : i32
    %mul3A_0 = arith.muli %arg1, %mul3A : i32
    %add3A = arith.addi %mul3A_0, %arg0 : i32
    %mul3A_1 = arith.constant 6400 : i32
    %mul3A_2 = arith.muli %add3A, %mul3A_1 : i32
    "tpu.region"() ({
      %run_scoped3A = memref.alloca() : memref<50000xi32, #tpu.memory_space<vmem>>
      %run_scoped3A_3 = memref.alloca() : memref<50000xi32, #tpu.memory_space<vmem>>
      %run_scoped3A_4 = memref.alloca() : memref<6400xi32, #tpu.memory_space<vmem>>
      %dma_start3A = arith.constant 0 : i32
      %dma_start3A_5 = tpu.memref_slice %arg3[%dma_start3A] : memref<100000xi32, #tpu.memory_space<hbm>> -> memref<50000xi32, #tpu.memory_space<hbm>>
      %dma_start3A_6 = arith.constant 0 : i32
      %dma_start3A_7 = tpu.memref_slice %arg3[%dma_start3A_6] : memref<100000xi32, #tpu.memory_space<hbm>> -> memref<50000xi32, #tpu.memory_space<hbm>>
      tpu.enqueue_dma source(%dma_start3A_7 : memref<50000xi32, #tpu.memory_space<hbm>>) target(%run_scoped3A : memref<50000xi32, #tpu.memory_space<vmem>>) target_semaphore(%arg6 : memref<!tpu.dma_semaphore, #tpu.memory_space<semaphore_mem>>)
      %dma_start3A_8 = arith.constant 50000 : i32
      %dma_start3A_9 = tpu.memref_slice %arg3[%dma_start3A_8] : memref<100000xi32, #tpu.memory_space<hbm>> -> memref<50000xi32, #tpu.memory_space<hbm>>
      %dma_start3A_10 = arith.constant 50000 : i32
      %dma_start3A_11 = tpu.memref_slice %arg3[%dma_start3A_10] : memref<100000xi32, #tpu.memory_space<hbm>> -> memref<50000xi32, #tpu.memory_space<hbm>>
      tpu.enqueue_dma source(%dma_start3A_11 : memref<50000xi32, #tpu.memory_space<hbm>>) target(%run_scoped3A_3 : memref<50000xi32, #tpu.memory_space<vmem>>) target_semaphore(%arg7 : memref<!tpu.dma_semaphore, #tpu.memory_space<semaphore_mem>>)
      %dma_start3A_12 = tpu.memref_slice %arg2[%mul3A_2] : memref<204800xi32, #tpu.memory_space<hbm>> -> memref<6400xi32, #tpu.memory_space<hbm>>
      %dma_start3A_13 = tpu.memref_slice %arg2[%mul3A_2] : memref<204800xi32, #tpu.memory_space<hbm>> -> memref<6400xi32, #tpu.memory_space<hbm>>
      tpu.enqueue_dma source(%dma_start3A_13 : memref<6400xi32, #tpu.memory_space<hbm>>) target(%run_scoped3A_4 : memref<6400xi32, #tpu.memory_space<vmem>>) target_semaphore(%arg8 : memref<!tpu.dma_semaphore, #tpu.memory_space<semaphore_mem>>)
      %dma_wait3A = tpu.memref_slice %arg2[%mul3A_2] : memref<204800xi32, #tpu.memory_space<hbm>> -> memref<6400xi32, #tpu.memory_space<hbm>>
      %dma_wait3A_14 = tpu.memref_slice %arg2[%mul3A_2] : memref<204800xi32, #tpu.memory_space<hbm>> -> memref<6400xi32, #tpu.memory_space<hbm>>
      tpu.wait_dma2 semaphore(%arg8 : memref<!tpu.dma_semaphore, #tpu.memory_space<semaphore_mem>>) src(%dma_wait3A_14 : memref<6400xi32, #tpu.memory_space<hbm>>) dst(%run_scoped3A_4 : memref<6400xi32, #tpu.memory_space<vmem>>)
      %dma_wait3A_15 = arith.constant 0 : i32
      %dma_wait3A_16 = tpu.memref_slice %arg3[%dma_wait3A_15] : memref<100000xi32, #tpu.memory_space<hbm>> -> memref<50000xi32, #tpu.memory_space<hbm>>
      %dma_wait3A_17 = arith.constant 0 : i32
      %dma_wait3A_18 = tpu.memref_slice %arg3[%dma_wait3A_17] : memref<100000xi32, #tpu.memory_space<hbm>> -> memref<50000xi32, #tpu.memory_space<hbm>>
      tpu.wait_dma2 semaphore(%arg6 : memref<!tpu.dma_semaphore, #tpu.memory_space<semaphore_mem>>) src(%dma_wait3A_18 : memref<50000xi32, #tpu.memory_space<hbm>>) dst(%run_scoped3A : memref<50000xi32, #tpu.memory_space<vmem>>)
      %scan3A = arith.constant 0 : i32
      %scan3A_19 = arith.constant 400 : i32
      %scan3A_20 = arith.addi %scan3A, %scan3A_19 : i32
      %scan3A_21 = arith.constant 4 : i32
      scf.for %scan3A_32 = %scan3A to %scan3A_20 step %scan3A_21  : i32 {
        %mul3A_33 = arith.constant 16 : i32
        %mul3A_34 = arith.muli %scan3A_32, %mul3A_33 : i32
        %add3A_35 = arith.constant 0 : i32
        %add3A_36 = arith.addi %add3A_35, %mul3A_34 : i32
        %get3A = arith.index_cast %add3A_36 : i32 to index
        %get3A_37 = tpu.vector_load %run_scoped3A_4[%get3A] {strides = array<i32>} : memref<6400xi32, #tpu.memory_space<vmem>>, vector<16xi32>,
        %min3A = arith.constant 49999 : i32
        %min3A_38 = vector.broadcast %min3A : i32 to vector<16xi32>
        %min3A_39 = arith.minsi %get3A_37, %min3A_38 : vector<16xi32>
        %gather3A = tpu.vector_load_idx %run_scoped3A[%min3A_39] : memref<50000xi32, #tpu.memory_space<vmem>>[vector<16xi32>], vector<16xi32>,
        %lt3A = arith.constant 50000 : i32
        %lt3A_40 = vector.broadcast %lt3A : i32 to vector<16xi32>
        %lt3A_41 = arith.cmpi slt, %get3A_37, %lt3A_40 : vector<16xi32>
        %jit3A = arith.constant 0 : i32
        %broadcast_in_dim3A = vector.broadcast %jit3A : i32 to vector<16xi32>
        %select_n3A = arith.select %lt3A_41, %gather3A, %broadcast_in_dim3A : vector<16xi1>, vector<16xi32>
        %swap3A = arith.index_cast %add3A_36 : i32 to index
        %swap3A_42 = tpu.vector_load %arg5[%swap3A] {strides = array<i32>} : memref<6400xi32, #tpu.memory_space<vmem>>, vector<16xi32>,
        tpu.vector_store %arg5[%swap3A], %select_n3A {strides = array<i32>} : memref<6400xi32, #tpu.memory_space<vmem>>, vector<16xi32>,
        %scan3A_43 = arith.constant 1 : i32
        %scan3A_44 = arith.addi %scan3A_32, %scan3A_43 : i32
        %mul3A_45 = arith.constant 16 : i32
        %mul3A_46 = arith.muli %scan3A_44, %mul3A_45 : i32
        %add3A_47 = arith.constant 0 : i32
        %add3A_48 = arith.addi %add3A_47, %mul3A_46 : i32
        %get3A_49 = arith.index_cast %add3A_48 : i32 to index
        %get3A_50 = tpu.vector_load %run_scoped3A_4[%get3A_49] {strides = array<i32>} : memref<6400xi32, #tpu.memory_space<vmem>>, vector<16xi32>,
        %min3A_51 = arith.constant 49999 : i32
        %min3A_52 = vector.broadcast %min3A_51 : i32 to vector<16xi32>
        %min3A_53 = arith.minsi %get3A_50, %min3A_52 : vector<16xi32>
        %gather3A_54 = tpu.vector_load_idx %run_scoped3A[%min3A_53] : memref<50000xi32, #tpu.memory_space<vmem>>[vector<16xi32>], vector<16xi32>,
        %lt3A_55 = arith.constant 50000 : i32
        %lt3A_56 = vector.broadcast %lt3A_55 : i32 to vector<16xi32>
        %lt3A_57 = arith.cmpi slt, %get3A_50, %lt3A_56 : vector<16xi32>
        %jit3A_58 = arith.constant 0 : i32
        %broadcast_in_dim3A_59 = vector.broadcast %jit3A_58 : i32 to vector<16xi32>
        %select_n3A_60 = arith.select %lt3A_57, %gather3A_54, %broadcast_in_dim3A_59 : vector<16xi1>, vector<16xi32>
        %swap3A_61 = arith.index_cast %add3A_48 : i32 to index
        %swap3A_62 = tpu.vector_load %arg5[%swap3A_61] {strides = array<i32>} : memref<6400xi32, #tpu.memory_space<vmem>>, vector<16xi32>,
        tpu.vector_store %arg5[%swap3A_61], %select_n3A_60 {strides = array<i32>} : memref<6400xi32, #tpu.memory_space<vmem>>, vector<16xi32>,
        %scan3A_63 = arith.constant 2 : i32
        %scan3A_64 = arith.addi %scan3A_32, %scan3A_63 : i32
        %mul3A_65 = arith.constant 16 : i32
        %mul3A_66 = arith.muli %scan3A_64, %mul3A_65 : i32
        %add3A_67 = arith.constant 0 : i32
        %add3A_68 = arith.addi %add3A_67, %mul3A_66 : i32
        %get3A_69 = arith.index_cast %add3A_68 : i32 to index
        %get3A_70 = tpu.vector_load %run_scoped3A_4[%get3A_69] {strides = array<i32>} : memref<6400xi32, #tpu.memory_space<vmem>>, vector<16xi32>,
        %min3A_71 = arith.constant 49999 : i32
        %min3A_72 = vector.broadcast %min3A_71 : i32 to vector<16xi32>
        %min3A_73 = arith.minsi %get3A_70, %min3A_72 : vector<16xi32>
        %gather3A_74 = tpu.vector_load_idx %run_scoped3A[%min3A_73] : memref<50000xi32, #tpu.memory_space<vmem>>[vector<16xi32>], vector<16xi32>,
        %lt3A_75 = arith.constant 50000 : i32
        %lt3A_76 = vector.broadcast %lt3A_75 : i32 to vector<16xi32>
        %lt3A_77 = arith.cmpi slt, %get3A_70, %lt3A_76 : vector<16xi32>
        %jit3A_78 = arith.constant 0 : i32
        %broadcast_in_dim3A_79 = vector.broadcast %jit3A_78 : i32 to vector<16xi32>
        %select_n3A_80 = arith.select %lt3A_77, %gather3A_74, %broadcast_in_dim3A_79 : vector<16xi1>, vector<16xi32>
        %swap3A_81 = arith.index_cast %add3A_68 : i32 to index
        %swap3A_82 = tpu.vector_load %arg5[%swap3A_81] {strides = array<i32>} : memref<6400xi32, #tpu.memory_space<vmem>>, vector<16xi32>,
        tpu.vector_store %arg5[%swap3A_81], %select_n3A_80 {strides = array<i32>} : memref<6400xi32, #tpu.memory_space<vmem>>, vector<16xi32>,
        %scan3A_83 = arith.constant 3 : i32
        %scan3A_84 = arith.addi %scan3A_32, %scan3A_83 : i32
        %mul3A_85 = arith.constant 16 : i32
        %mul3A_86 = arith.muli %scan3A_84, %mul3A_85 : i32
        %add3A_87 = arith.constant 0 : i32
        %add3A_88 = arith.addi %add3A_87, %mul3A_86 : i32
        %get3A_89 = arith.index_cast %add3A_88 : i32 to index
        %get3A_90 = tpu.vector_load %run_scoped3A_4[%get3A_89] {strides = array<i32>} : memref<6400xi32, #tpu.memory_space<vmem>>, vector<16xi32>,
        %min3A_91 = arith.constant 49999 : i32
        %min3A_92 = vector.broadcast %min3A_91 : i32 to vector<16xi32>
        %min3A_93 = arith.minsi %get3A_90, %min3A_92 : vector<16xi32>
        %gather3A_94 = tpu.vector_load_idx %run_scoped3A[%min3A_93] : memref<50000xi32, #tpu.memory_space<vmem>>[vector<16xi32>], vector<16xi32>,
        %lt3A_95 = arith.constant 50000 : i32
        %lt3A_96 = vector.broadcast %lt3A_95 : i32 to vector<16xi32>
        %lt3A_97 = arith.cmpi slt, %get3A_90, %lt3A_96 : vector<16xi32>
        %jit3A_98 = arith.constant 0 : i32
        %broadcast_in_dim3A_99 = vector.broadcast %jit3A_98 : i32 to vector<16xi32>
        %select_n3A_100 = arith.select %lt3A_97, %gather3A_94, %broadcast_in_dim3A_99 : vector<16xi1>, vector<16xi32>
        %swap3A_101 = arith.index_cast %add3A_88 : i32 to index
        %swap3A_102 = tpu.vector_load %arg5[%swap3A_101] {strides = array<i32>} : memref<6400xi32, #tpu.memory_space<vmem>>, vector<16xi32>,
        tpu.vector_store %arg5[%swap3A_101], %select_n3A_100 {strides = array<i32>} : memref<6400xi32, #tpu.memory_space<vmem>>, vector<16xi32>,
      }
      %scan3A_22 = arith.constant 400 : i32
      %dma_wait3A_23 = arith.constant 50000 : i32
      %dma_wait3A_24 = tpu.memref_slice %arg3[%dma_wait3A_23] : memref<100000xi32, #tpu.memory_space<hbm>> -> memref<50000xi32, #tpu.memory_space<hbm>>
      %dma_wait3A_25 = arith.constant 50000 : i32
      %dma_wait3A_26 = tpu.memref_slice %arg3[%dma_wait3A_25] : memref<100000xi32, #tpu.memory_space<hbm>> -> memref<50000xi32, #tpu.memory_space<hbm>>
      tpu.wait_dma2 semaphore(%arg7 : memref<!tpu.dma_semaphore, #tpu.memory_space<semaphore_mem>>) src(%dma_wait3A_26 : memref<50000xi32, #tpu.memory_space<hbm>>) dst(%run_scoped3A_3 : memref<50000xi32, #tpu.memory_space<vmem>>)
      %scan3A_27 = arith.constant 0 : i32
      %scan3A_28 = arith.constant 400 : i32
      %scan3A_29 = arith.addi %scan3A_27, %scan3A_28 : i32
      %scan3A_30 = arith.constant 4 : i32
      scf.for %scan3A_32 = %scan3A_27 to %scan3A_29 step %scan3A_30  : i32 {
        %mul3A_33 = arith.constant 16 : i32
        %mul3A_34 = arith.muli %scan3A_32, %mul3A_33 : i32
        %add3A_35 = arith.constant 0 : i32
        %add3A_36 = arith.addi %add3A_35, %mul3A_34 : i32
        %get3A = arith.index_cast %add3A_36 : i32 to index
        %get3A_37 = tpu.vector_load %run_scoped3A_4[%get3A] {strides = array<i32>} : memref<6400xi32, #tpu.memory_space<vmem>>, vector<16xi32>,
        %sub3A = arith.constant 50000 : i32
        %sub3A_38 = vector.broadcast %sub3A : i32 to vector<16xi32>
        %sub3A_39 = arith.subi %get3A_37, %sub3A_38 : vector<16xi32>
        %max3A = arith.constant 0 : i32
        %max3A_40 = vector.broadcast %max3A : i32 to vector<16xi32>
        %max3A_41 = arith.maxsi %sub3A_39, %max3A_40 : vector<16xi32>
        %gather3A = tpu.vector_load_idx %run_scoped3A_3[%max3A_41] : memref<50000xi32, #tpu.memory_space<vmem>>[vector<16xi32>], vector<16xi32>,
        %ge3A = arith.constant 0 : i32
        %ge3A_42 = vector.broadcast %ge3A : i32 to vector<16xi32>
        %ge3A_43 = arith.cmpi sge, %sub3A_39, %ge3A_42 : vector<16xi32>
        %get3A_44 = arith.index_cast %add3A_36 : i32 to index
        %get3A_45 = tpu.vector_load %arg5[%get3A_44] {strides = array<i32>} : memref<6400xi32, #tpu.memory_space<vmem>>, vector<16xi32>,
        %select_n3A = arith.select %ge3A_43, %gather3A, %get3A_45 : vector<16xi1>, vector<16xi32>
        %swap3A = arith.index_cast %add3A_36 : i32 to index
        %swap3A_46 = tpu.vector_load %arg5[%swap3A] {strides = array<i32>} : memref<6400xi32, #tpu.memory_space<vmem>>, vector<16xi32>,
        tpu.vector_store %arg5[%swap3A], %select_n3A {strides = array<i32>} : memref<6400xi32, #tpu.memory_space<vmem>>, vector<16xi32>,
        %scan3A_47 = arith.constant 1 : i32
        %scan3A_48 = arith.addi %scan3A_32, %scan3A_47 : i32
        %mul3A_49 = arith.constant 16 : i32
        %mul3A_50 = arith.muli %scan3A_48, %mul3A_49 : i32
        %add3A_51 = arith.constant 0 : i32
        %add3A_52 = arith.addi %add3A_51, %mul3A_50 : i32
        %get3A_53 = arith.index_cast %add3A_52 : i32 to index
        %get3A_54 = tpu.vector_load %run_scoped3A_4[%get3A_53] {strides = array<i32>} : memref<6400xi32, #tpu.memory_space<vmem>>, vector<16xi32>,
        %sub3A_55 = arith.constant 50000 : i32
        %sub3A_56 = vector.broadcast %sub3A_55 : i32 to vector<16xi32>
        %sub3A_57 = arith.subi %get3A_54, %sub3A_56 : vector<16xi32>
        %max3A_58 = arith.constant 0 : i32
        %max3A_59 = vector.broadcast %max3A_58 : i32 to vector<16xi32>
        %max3A_60 = arith.maxsi %sub3A_57, %max3A_59 : vector<16xi32>
        %gather3A_61 = tpu.vector_load_idx %run_scoped3A_3[%max3A_60] : memref<50000xi32, #tpu.memory_space<vmem>>[vector<16xi32>], vector<16xi32>,
        %ge3A_62 = arith.constant 0 : i32
        %ge3A_63 = vector.broadcast %ge3A_62 : i32 to vector<16xi32>
        %ge3A_64 = arith.cmpi sge, %sub3A_57, %ge3A_63 : vector<16xi32>
        %get3A_65 = arith.index_cast %add3A_52 : i32 to index
        %get3A_66 = tpu.vector_load %arg5[%get3A_65] {strides = array<i32>} : memref<6400xi32, #tpu.memory_space<vmem>>, vector<16xi32>,
        %select_n3A_67 = arith.select %ge3A_64, %gather3A_61, %get3A_66 : vector<16xi1>, vector<16xi32>
        %swap3A_68 = arith.index_cast %add3A_52 : i32 to index
        %swap3A_69 = tpu.vector_load %arg5[%swap3A_68] {strides = array<i32>} : memref<6400xi32, #tpu.memory_space<vmem>>, vector<16xi32>,
        tpu.vector_store %arg5[%swap3A_68], %select_n3A_67 {strides = array<i32>} : memref<6400xi32, #tpu.memory_space<vmem>>, vector<16xi32>,
        %scan3A_70 = arith.constant 2 : i32
        %scan3A_71 = arith.addi %scan3A_32, %scan3A_70 : i32
        %mul3A_72 = arith.constant 16 : i32
        %mul3A_73 = arith.muli %scan3A_71, %mul3A_72 : i32
        %add3A_74 = arith.constant 0 : i32
        %add3A_75 = arith.addi %add3A_74, %mul3A_73 : i32
        %get3A_76 = arith.index_cast %add3A_75 : i32 to index
        %get3A_77 = tpu.vector_load %run_scoped3A_4[%get3A_76] {strides = array<i32>} : memref<6400xi32, #tpu.memory_space<vmem>>, vector<16xi32>,
        %sub3A_78 = arith.constant 50000 : i32
        %sub3A_79 = vector.broadcast %sub3A_78 : i32 to vector<16xi32>
        %sub3A_80 = arith.subi %get3A_77, %sub3A_79 : vector<16xi32>
        %max3A_81 = arith.constant 0 : i32
        %max3A_82 = vector.broadcast %max3A_81 : i32 to vector<16xi32>
        %max3A_83 = arith.maxsi %sub3A_80, %max3A_82 : vector<16xi32>
        %gather3A_84 = tpu.vector_load_idx %run_scoped3A_3[%max3A_83] : memref<50000xi32, #tpu.memory_space<vmem>>[vector<16xi32>], vector<16xi32>,
        %ge3A_85 = arith.constant 0 : i32
        %ge3A_86 = vector.broadcast %ge3A_85 : i32 to vector<16xi32>
        %ge3A_87 = arith.cmpi sge, %sub3A_80, %ge3A_86 : vector<16xi32>
        %get3A_88 = arith.index_cast %add3A_75 : i32 to index
        %get3A_89 = tpu.vector_load %arg5[%get3A_88] {strides = array<i32>} : memref<6400xi32, #tpu.memory_space<vmem>>, vector<16xi32>,
        %select_n3A_90 = arith.select %ge3A_87, %gather3A_84, %get3A_89 : vector<16xi1>, vector<16xi32>
        %swap3A_91 = arith.index_cast %add3A_75 : i32 to index
        %swap3A_92 = tpu.vector_load %arg5[%swap3A_91] {strides = array<i32>} : memref<6400xi32, #tpu.memory_space<vmem>>, vector<16xi32>,
        tpu.vector_store %arg5[%swap3A_91], %select_n3A_90 {strides = array<i32>} : memref<6400xi32, #tpu.memory_space<vmem>>, vector<16xi32>,
        %scan3A_93 = arith.constant 3 : i32
        %scan3A_94 = arith.addi %scan3A_32, %scan3A_93 : i32
        %mul3A_95 = arith.constant 16 : i32
        %mul3A_96 = arith.muli %scan3A_94, %mul3A_95 : i32
        %add3A_97 = arith.constant 0 : i32
        %add3A_98 = arith.addi %add3A_97, %mul3A_96 : i32
        %get3A_99 = arith.index_cast %add3A_98 : i32 to index
        %get3A_100 = tpu.vector_load %run_scoped3A_4[%get3A_99] {strides = array<i32>} : memref<6400xi32, #tpu.memory_space<vmem>>, vector<16xi32>,
        %sub3A_101 = arith.constant 50000 : i32
        %sub3A_102 = vector.broadcast %sub3A_101 : i32 to vector<16xi32>
        %sub3A_103 = arith.subi %get3A_100, %sub3A_102 : vector<16xi32>
        %max3A_104 = arith.constant 0 : i32
        %max3A_105 = vector.broadcast %max3A_104 : i32 to vector<16xi32>
        %max3A_106 = arith.maxsi %sub3A_103, %max3A_105 : vector<16xi32>
        %gather3A_107 = tpu.vector_load_idx %run_scoped3A_3[%max3A_106] : memref<50000xi32, #tpu.memory_space<vmem>>[vector<16xi32>], vector<16xi32>,
        %ge3A_108 = arith.constant 0 : i32
        %ge3A_109 = vector.broadcast %ge3A_108 : i32 to vector<16xi32>
        %ge3A_110 = arith.cmpi sge, %sub3A_103, %ge3A_109 : vector<16xi32>
        %get3A_111 = arith.index_cast %add3A_98 : i32 to index
        %get3A_112 = tpu.vector_load %arg5[%get3A_111] {strides = array<i32>} : memref<6400xi32, #tpu.memory_space<vmem>>, vector<16xi32>,
        %select_n3A_113 = arith.select %ge3A_110, %gather3A_107, %get3A_112 : vector<16xi1>, vector<16xi32>
        %swap3A_114 = arith.index_cast %add3A_98 : i32 to index
        %swap3A_115 = tpu.vector_load %arg5[%swap3A_114] {strides = array<i32>} : memref<6400xi32, #tpu.memory_space<vmem>>, vector<16xi32>,
        tpu.vector_store %arg5[%swap3A_114], %select_n3A_113 {strides = array<i32>} : memref<6400xi32, #tpu.memory_space<vmem>>, vector<16xi32>,
      }
      %scan3A_31 = arith.constant 400 : i32
      "tpu.region"() ({
        %run_scoped3A_32 = tpu.sem_alloc : memref<!tpu.dma_semaphore, #tpu.memory_space<semaphore_mem>>
        %dma_start3A_33 = tpu.memref_slice %arg4[%mul3A_2] : memref<204800xi32, #tpu.memory_space<hbm>> -> memref<6400xi32, #tpu.memory_space<hbm>>
        %dma_start3A_34 = tpu.memref_slice %arg4[%mul3A_2] : memref<204800xi32, #tpu.memory_space<hbm>> -> memref<6400xi32, #tpu.memory_space<hbm>>
        tpu.enqueue_dma source(%arg5 : memref<6400xi32, #tpu.memory_space<vmem>>) target(%dma_start3A_34 : memref<6400xi32, #tpu.memory_space<hbm>>) target_semaphore(%run_scoped3A_32 : memref<!tpu.dma_semaphore, #tpu.memory_space<semaphore_mem>>)
        %dma_wait3A_35 = tpu.memref_slice %arg4[%mul3A_2] : memref<204800xi32, #tpu.memory_space<hbm>> -> memref<6400xi32, #tpu.memory_space<hbm>>
        %dma_wait3A_36 = tpu.memref_slice %arg4[%mul3A_2] : memref<204800xi32, #tpu.memory_space<hbm>> -> memref<6400xi32, #tpu.memory_space<hbm>>
        tpu.wait_dma2 semaphore(%run_scoped3A_32 : memref<!tpu.dma_semaphore, #tpu.memory_space<semaphore_mem>>) src(%arg5 : memref<6400xi32, #tpu.memory_space<vmem>>) dst(%dma_wait3A_36 : memref<6400xi32, #tpu.memory_space<hbm>>)
        tpu.yield
      }) : () -> ()
      tpu.yield
    }) : () -> ()
    return
  }
}

#map = affine_map<(d0, d1) -> (0)>
#map1 = affine_map<(d0, d1) -> (0, 0)>
module attributes {stable_mosaic.version = 14 : i64} {
  func.func @_emb(%arg0: i32, %arg1: i32, %arg2: memref<204800xi32, #tpu.memory_space<hbm>>, %arg3: memref<100000x128xf32, #tpu.memory_space<hbm>>, %arg4: memref<204800x128xf32, #tpu.memory_space<hbm>>, %arg5: memref<6400xi32, #tpu.memory_space<vmem>>, %arg6: memref<128x128xf32, #tpu.memory_space<vmem>>, %arg7: memref<128x128xf32, #tpu.memory_space<vmem>>, %arg8: memref<!tpu.dma_semaphore, #tpu.memory_space<semaphore_mem>>, %arg9: memref<!tpu.dma_semaphore, #tpu.memory_space<semaphore_mem>>, %arg10: memref<!tpu.dma_semaphore, #tpu.memory_space<semaphore_mem>>, %arg11: memref<!tpu.dma_semaphore, #tpu.memory_space<semaphore_mem>>) attributes {dimension_semantics = [#tpu.dimension_semantics<core_parallel>, #tpu.dimension_semantics<subcore_parallel>], iteration_bounds = array<i64: 2, 16>, scalar_prefetch = 0 : i64, scratch_operands = 7 : i64, tpu.core_type = #tpu.core_type<sc_vector_subcore>, window_params = [{transform_indices = #map}, {transform_indices = #map1}, {transform_indices = #map1}]} {
    %mul3A = arith.constant 2 : i32
    %mul3A_0 = arith.muli %arg1, %mul3A : i32
    %add3A = arith.addi %mul3A_0, %arg0 : i32
    %mul3A_1 = arith.constant 6400 : i32
    %mul3A_2 = arith.muli %add3A, %mul3A_1 : i32
    "tpu.region"() ({
      %run_scoped3A = tpu.sem_alloc : memref<!tpu.dma_semaphore, #tpu.memory_space<semaphore_mem>>
      %dma_start3A_49 = tpu.memref_slice %arg2[%mul3A_2] : memref<204800xi32, #tpu.memory_space<hbm>> -> memref<6400xi32, #tpu.memory_space<hbm>>
      %dma_start3A_50 = tpu.memref_slice %arg2[%mul3A_2] : memref<204800xi32, #tpu.memory_space<hbm>> -> memref<6400xi32, #tpu.memory_space<hbm>>
      tpu.enqueue_dma source(%dma_start3A_50 : memref<6400xi32, #tpu.memory_space<hbm>>) target(%arg5 : memref<6400xi32, #tpu.memory_space<vmem>>) target_semaphore(%run_scoped3A : memref<!tpu.dma_semaphore, #tpu.memory_space<semaphore_mem>>)
      %dma_wait3A_51 = tpu.memref_slice %arg2[%mul3A_2] : memref<204800xi32, #tpu.memory_space<hbm>> -> memref<6400xi32, #tpu.memory_space<hbm>>
      %dma_wait3A_52 = tpu.memref_slice %arg2[%mul3A_2] : memref<204800xi32, #tpu.memory_space<hbm>> -> memref<6400xi32, #tpu.memory_space<hbm>>
      tpu.wait_dma2 semaphore(%run_scoped3A : memref<!tpu.dma_semaphore, #tpu.memory_space<semaphore_mem>>) src(%dma_wait3A_52 : memref<6400xi32, #tpu.memory_space<hbm>>) dst(%arg5 : memref<6400xi32, #tpu.memory_space<vmem>>)
      tpu.yield
    }) : () -> ()
    %dma_start3A = arith.constant 0 : i32
    %dma_start3A_3 = tpu.memref_slice %arg5[%dma_start3A] : memref<6400xi32, #tpu.memory_space<vmem>> -> memref<128xi32, #tpu.memory_space<vmem>>
    %dma_start3A_4 = arith.constant 0 : i32
    %dma_start3A_5 = arith.constant 0 : i32
    %dma_start3A_6 = tpu.memref_slice %arg3[%dma_start3A_4, %dma_start3A_5] : memref<100000x128xf32, #tpu.memory_space<hbm>> -> memref<100000x128xf32, #tpu.memory_space<hbm>>
    tpu.enqueue_indirect_dma source(%dma_start3A_6 : memref<100000x128xf32, #tpu.memory_space<hbm>>) target(%arg6 : memref<128x128xf32, #tpu.memory_space<vmem>>) offsets(%dma_start3A_3 : memref<128xi32, #tpu.memory_space<vmem>>) semaphore(%arg8 : memref<!tpu.dma_semaphore, #tpu.memory_space<semaphore_mem>>)
    %dma_wait3A = arith.constant 0 : i32
    %dma_wait3A_7 = tpu.memref_slice %arg5[%dma_wait3A] : memref<6400xi32, #tpu.memory_space<vmem>> -> memref<128xi32, #tpu.memory_space<vmem>>
    %dma_wait3A_8 = arith.constant 0 : i32
    %dma_wait3A_9 = arith.constant 0 : i32
    %dma_wait3A_10 = tpu.memref_slice %arg3[%dma_wait3A_8, %dma_wait3A_9] : memref<100000x128xf32, #tpu.memory_space<hbm>> -> memref<100000x128xf32, #tpu.memory_space<hbm>>
    tpu.wait_indirect_dma semaphore(%arg8 : memref<!tpu.dma_semaphore, #tpu.memory_space<semaphore_mem>>) src(%dma_wait3A_10 : memref<100000x128xf32, #tpu.memory_space<hbm>>) dst(%arg6 : memref<128x128xf32, #tpu.memory_space<vmem>>)
    %dma_start3A_11 = arith.constant 128 : i32
    %dma_start3A_12 = tpu.memref_slice %arg5[%dma_start3A_11] : memref<6400xi32, #tpu.memory_space<vmem>> -> memref<128xi32, #tpu.memory_space<vmem>>
    %dma_start3A_13 = arith.constant 0 : i32
    %dma_start3A_14 = arith.constant 0 : i32
    %dma_start3A_15 = tpu.memref_slice %arg3[%dma_start3A_13, %dma_start3A_14] : memref<100000x128xf32, #tpu.memory_space<hbm>> -> memref<100000x128xf32, #tpu.memory_space<hbm>>
    tpu.enqueue_indirect_dma source(%dma_start3A_15 : memref<100000x128xf32, #tpu.memory_space<hbm>>) target(%arg7 : memref<128x128xf32, #tpu.memory_space<vmem>>) offsets(%dma_start3A_12 : memref<128xi32, #tpu.memory_space<vmem>>) semaphore(%arg9 : memref<!tpu.dma_semaphore, #tpu.memory_space<semaphore_mem>>)
    %add3A_16 = arith.constant 0 : i32
    %add3A_17 = arith.addi %mul3A_2, %add3A_16 : i32
    %dma_start3A_18 = arith.constant 0 : i32
    %dma_start3A_19 = tpu.memref_slice %arg4[%add3A_17, %dma_start3A_18] : memref<204800x128xf32, #tpu.memory_space<hbm>> -> memref<128x128xf32, #tpu.memory_space<hbm>>
    %dma_start3A_20 = arith.constant 0 : i32
    %dma_start3A_21 = tpu.memref_slice %arg4[%add3A_17, %dma_start3A_20] : memref<204800x128xf32, #tpu.memory_space<hbm>> -> memref<128x128xf32, #tpu.memory_space<hbm>>
    tpu.enqueue_dma source(%arg6 : memref<128x128xf32, #tpu.memory_space<vmem>>) target(%dma_start3A_21 : memref<128x128xf32, #tpu.memory_space<hbm>>) target_semaphore(%arg10 : memref<!tpu.dma_semaphore, #tpu.memory_space<semaphore_mem>>)
    %scan3A = arith.constant 0 : i32
    %scan3A_22 = arith.constant 24 : i32
    %scan3A_23 = arith.addi %scan3A, %scan3A_22 : i32
    %scan3A_24 = arith.constant 1 : i32
    scf.for %scan3A_49 = %scan3A to %scan3A_23 step %scan3A_24  : i32 {
      %mul3A_50 = arith.constant 2 : i32
      %mul3A_51 = arith.muli %scan3A_49, %mul3A_50 : i32
      %add3A_52 = arith.constant 1 : i32
      %add3A_53 = arith.addi %add3A_52, %mul3A_51 : i32
      %dma_wait3A_54 = arith.constant 0 : i32
      %dma_wait3A_55 = tpu.memref_slice %arg5[%dma_wait3A_54] : memref<6400xi32, #tpu.memory_space<vmem>> -> memref<128xi32, #tpu.memory_space<vmem>>
      %dma_wait3A_56 = arith.constant 0 : i32
      %dma_wait3A_57 = arith.constant 0 : i32
      %dma_wait3A_58 = tpu.memref_slice %arg3[%dma_wait3A_56, %dma_wait3A_57] : memref<100000x128xf32, #tpu.memory_space<hbm>> -> memref<100000x128xf32, #tpu.memory_space<hbm>>
      tpu.wait_indirect_dma semaphore(%arg9 : memref<!tpu.dma_semaphore, #tpu.memory_space<semaphore_mem>>) src(%dma_wait3A_58 : memref<100000x128xf32, #tpu.memory_space<hbm>>) dst(%arg7 : memref<128x128xf32, #tpu.memory_space<vmem>>)
      %dma_wait3A_59 = arith.constant 0 : i32
      %dma_wait3A_60 = arith.constant 0 : i32
      %dma_wait3A_61 = tpu.memref_slice %arg4[%dma_wait3A_59, %dma_wait3A_60] : memref<204800x128xf32, #tpu.memory_space<hbm>> -> memref<128x128xf32, #tpu.memory_space<hbm>>
      %dma_wait3A_62 = arith.constant 0 : i32
      %dma_wait3A_63 = arith.constant 0 : i32
      %dma_wait3A_64 = tpu.memref_slice %arg4[%dma_wait3A_62, %dma_wait3A_63] : memref<204800x128xf32, #tpu.memory_space<hbm>> -> memref<128x128xf32, #tpu.memory_space<hbm>>
      tpu.wait_dma2 semaphore(%arg10 : memref<!tpu.dma_semaphore, #tpu.memory_space<semaphore_mem>>) src(%arg6 : memref<128x128xf32, #tpu.memory_space<vmem>>) dst(%dma_wait3A_64 : memref<128x128xf32, #tpu.memory_space<hbm>>)
      %add3A_65 = arith.constant 1 : i32
      %add3A_66 = arith.addi %add3A_53, %add3A_65 : i32
      %mul3A_67 = arith.constant 128 : i32
      %mul3A_68 = arith.muli %add3A_66, %mul3A_67 : i32
      %dma_start3A_69 = tpu.memref_slice %arg5[%mul3A_68] : memref<6400xi32, #tpu.memory_space<vmem>> -> memref<128xi32, #tpu.memory_space<vmem>>
      %dma_start3A_70 = arith.constant 0 : i32
      %dma_start3A_71 = arith.constant 0 : i32
      %dma_start3A_72 = tpu.memref_slice %arg3[%dma_start3A_70, %dma_start3A_71] : memref<100000x128xf32, #tpu.memory_space<hbm>> -> memref<100000x128xf32, #tpu.memory_space<hbm>>
      tpu.enqueue_indirect_dma source(%dma_start3A_72 : memref<100000x128xf32, #tpu.memory_space<hbm>>) target(%arg6 : memref<128x128xf32, #tpu.memory_space<vmem>>) offsets(%dma_start3A_69 : memref<128xi32, #tpu.memory_space<vmem>>) semaphore(%arg8 : memref<!tpu.dma_semaphore, #tpu.memory_space<semaphore_mem>>)
      %mul3A_73 = arith.constant 128 : i32
      %mul3A_74 = arith.muli %add3A_53, %mul3A_73 : i32
      %add3A_75 = arith.addi %mul3A_2, %mul3A_74 : i32
      %dma_start3A_76 = arith.constant 0 : i32
      %dma_start3A_77 = tpu.memref_slice %arg4[%add3A_75, %dma_start3A_76] : memref<204800x128xf32, #tpu.memory_space<hbm>> -> memref<128x128xf32, #tpu.memory_space<hbm>>
      %dma_start3A_78 = arith.constant 0 : i32
      %dma_start3A_79 = tpu.memref_slice %arg4[%add3A_75, %dma_start3A_78] : memref<204800x128xf32, #tpu.memory_space<hbm>> -> memref<128x128xf32, #tpu.memory_space<hbm>>
      tpu.enqueue_dma source(%arg7 : memref<128x128xf32, #tpu.memory_space<vmem>>) target(%dma_start3A_79 : memref<128x128xf32, #tpu.memory_space<hbm>>) target_semaphore(%arg11 : memref<!tpu.dma_semaphore, #tpu.memory_space<semaphore_mem>>)
      %dma_wait3A_80 = arith.constant 0 : i32
      %dma_wait3A_81 = tpu.memref_slice %arg5[%dma_wait3A_80] : memref<6400xi32, #tpu.memory_space<vmem>> -> memref<128xi32, #tpu.memory_space<vmem>>
      %dma_wait3A_82 = arith.constant 0 : i32
      %dma_wait3A_83 = arith.constant 0 : i32
      %dma_wait3A_84 = tpu.memref_slice %arg3[%dma_wait3A_82, %dma_wait3A_83] : memref<100000x128xf32, #tpu.memory_space<hbm>> -> memref<100000x128xf32, #tpu.memory_space<hbm>>
      tpu.wait_indirect_dma semaphore(%arg8 : memref<!tpu.dma_semaphore, #tpu.memory_space<semaphore_mem>>) src(%dma_wait3A_84 : memref<100000x128xf32, #tpu.memory_space<hbm>>) dst(%arg6 : memref<128x128xf32, #tpu.memory_space<vmem>>)
      %dma_wait3A_85 = arith.constant 0 : i32
      %dma_wait3A_86 = arith.constant 0 : i32
      %dma_wait3A_87 = tpu.memref_slice %arg4[%dma_wait3A_85, %dma_wait3A_86] : memref<204800x128xf32, #tpu.memory_space<hbm>> -> memref<128x128xf32, #tpu.memory_space<hbm>>
      %dma_wait3A_88 = arith.constant 0 : i32
      %dma_wait3A_89 = arith.constant 0 : i32
      %dma_wait3A_90 = tpu.memref_slice %arg4[%dma_wait3A_88, %dma_wait3A_89] : memref<204800x128xf32, #tpu.memory_space<hbm>> -> memref<128x128xf32, #tpu.memory_space<hbm>>
      tpu.wait_dma2 semaphore(%arg11 : memref<!tpu.dma_semaphore, #tpu.memory_space<semaphore_mem>>) src(%arg7 : memref<128x128xf32, #tpu.memory_space<vmem>>) dst(%dma_wait3A_90 : memref<128x128xf32, #tpu.memory_space<hbm>>)
      %add3A_91 = arith.constant 2 : i32
      %add3A_92 = arith.addi %add3A_53, %add3A_91 : i32
      %mul3A_93 = arith.constant 128 : i32
      %mul3A_94 = arith.muli %add3A_92, %mul3A_93 : i32
      %dma_start3A_95 = tpu.memref_slice %arg5[%mul3A_94] : memref<6400xi32, #tpu.memory_space<vmem>> -> memref<128xi32, #tpu.memory_space<vmem>>
      %dma_start3A_96 = arith.constant 0 : i32
      %dma_start3A_97 = arith.constant 0 : i32
      %dma_start3A_98 = tpu.memref_slice %arg3[%dma_start3A_96, %dma_start3A_97] : memref<100000x128xf32, #tpu.memory_space<hbm>> -> memref<100000x128xf32, #tpu.memory_space<hbm>>
      tpu.enqueue_indirect_dma source(%dma_start3A_98 : memref<100000x128xf32, #tpu.memory_space<hbm>>) target(%arg7 : memref<128x128xf32, #tpu.memory_space<vmem>>) offsets(%dma_start3A_95 : memref<128xi32, #tpu.memory_space<vmem>>) semaphore(%arg9 : memref<!tpu.dma_semaphore, #tpu.memory_space<semaphore_mem>>)
      %add3A_99 = arith.constant 1 : i32
      %add3A_100 = arith.addi %add3A_53, %add3A_99 : i32
      %mul3A_101 = arith.constant 128 : i32
      %mul3A_102 = arith.muli %add3A_100, %mul3A_101 : i32
      %add3A_103 = arith.addi %mul3A_2, %mul3A_102 : i32
      %dma_start3A_104 = arith.constant 0 : i32
      %dma_start3A_105 = tpu.memref_slice %arg4[%add3A_103, %dma_start3A_104] : memref<204800x128xf32, #tpu.memory_space<hbm>> -> memref<128x128xf32, #tpu.memory_space<hbm>>
      %dma_start3A_106 = arith.constant 0 : i32
      %dma_start3A_107 = tpu.memref_slice %arg4[%add3A_103, %dma_start3A_106] : memref<204800x128xf32, #tpu.memory_space<hbm>> -> memref<128x128xf32, #tpu.memory_space<hbm>>
      tpu.enqueue_dma source(%arg6 : memref<128x128xf32, #tpu.memory_space<vmem>>) target(%dma_start3A_107 : memref<128x128xf32, #tpu.memory_space<hbm>>) target_semaphore(%arg10 : memref<!tpu.dma_semaphore, #tpu.memory_space<semaphore_mem>>)
    }
    %scan3A_25 = arith.constant 24 : i32
    %dma_wait3A_26 = arith.constant 0 : i32
    %dma_wait3A_27 = tpu.memref_slice %arg5[%dma_wait3A_26] : memref<6400xi32, #tpu.memory_space<vmem>> -> memref<128xi32, #tpu.memory_space<vmem>>
    %dma_wait3A_28 = arith.constant 0 : i32
    %dma_wait3A_29 = arith.constant 0 : i32
    %dma_wait3A_30 = tpu.memref_slice %arg3[%dma_wait3A_28, %dma_wait3A_29] : memref<100000x128xf32, #tpu.memory_space<hbm>> -> memref<100000x128xf32, #tpu.memory_space<hbm>>
    tpu.wait_indirect_dma semaphore(%arg9 : memref<!tpu.dma_semaphore, #tpu.memory_space<semaphore_mem>>) src(%dma_wait3A_30 : memref<100000x128xf32, #tpu.memory_space<hbm>>) dst(%arg7 : memref<128x128xf32, #tpu.memory_space<vmem>>)
    %dma_wait3A_31 = arith.constant 0 : i32
    %dma_wait3A_32 = arith.constant 0 : i32
    %dma_wait3A_33 = tpu.memref_slice %arg4[%dma_wait3A_31, %dma_wait3A_32] : memref<204800x128xf32, #tpu.memory_space<hbm>> -> memref<128x128xf32, #tpu.memory_space<hbm>>
    %dma_wait3A_34 = arith.constant 0 : i32
    %dma_wait3A_35 = arith.constant 0 : i32
    %dma_wait3A_36 = tpu.memref_slice %arg4[%dma_wait3A_34, %dma_wait3A_35] : memref<204800x128xf32, #tpu.memory_space<hbm>> -> memref<128x128xf32, #tpu.memory_space<hbm>>
    tpu.wait_dma2 semaphore(%arg10 : memref<!tpu.dma_semaphore, #tpu.memory_space<semaphore_mem>>) src(%arg6 : memref<128x128xf32, #tpu.memory_space<vmem>>) dst(%dma_wait3A_36 : memref<128x128xf32, #tpu.memory_space<hbm>>)
    %add3A_37 = arith.constant 6272 : i32
    %add3A_38 = arith.addi %mul3A_2, %add3A_37 : i32
    %dma_start3A_39 = arith.constant 0 : i32
    %dma_start3A_40 = tpu.memref_slice %arg4[%add3A_38, %dma_start3A_39] : memref<204800x128xf32, #tpu.memory_space<hbm>> -> memref<128x128xf32, #tpu.memory_space<hbm>>
    %dma_start3A_41 = arith.constant 0 : i32
    %dma_start3A_42 = tpu.memref_slice %arg4[%add3A_38, %dma_start3A_41] : memref<204800x128xf32, #tpu.memory_space<hbm>> -> memref<128x128xf32, #tpu.memory_space<hbm>>
    tpu.enqueue_dma source(%arg7 : memref<128x128xf32, #tpu.memory_space<vmem>>) target(%dma_start3A_42 : memref<128x128xf32, #tpu.memory_space<hbm>>) target_semaphore(%arg11 : memref<!tpu.dma_semaphore, #tpu.memory_space<semaphore_mem>>)
    %dma_wait3A_43 = arith.constant 0 : i32
    %dma_wait3A_44 = arith.constant 0 : i32
    %dma_wait3A_45 = tpu.memref_slice %arg4[%dma_wait3A_43, %dma_wait3A_44] : memref<204800x128xf32, #tpu.memory_space<hbm>> -> memref<128x128xf32, #tpu.memory_space<hbm>>
    %dma_wait3A_46 = arith.constant 0 : i32
    %dma_wait3A_47 = arith.constant 0 : i32
    %dma_wait3A_48 = tpu.memref_slice %arg4[%dma_wait3A_46, %dma_wait3A_47] : memref<204800x128xf32, #tpu.memory_space<hbm>> -> memref<128x128xf32, #tpu.memory_space<hbm>>
    tpu.wait_dma2 semaphore(%arg11 : memref<!tpu.dma_semaphore, #tpu.memory_space<semaphore_mem>>) src(%arg7 : memref<128x128xf32, #tpu.memory_space<vmem>>) dst(%dma_wait3A_48 : memref<128x128xf32, #tpu.memory_space<hbm>>)
    return
  }
}

module attributes {stable_mosaic.version = 14 : i64} {
  func.func @_build_fixed_body(%arg0: i32, %arg1: memref<8000x64xf32, #tpu.memory_space<vmem>>, %arg2: memref<8000x64xf32, #tpu.memory_space<vmem>>, %arg3: memref<8000x128xf32, #tpu.memory_space<vmem>>) attributes {dimension_semantics = [#tpu.dimension_semantics<arbitrary>], iteration_bounds = array<i64: 10>, scalar_prefetch = 0 : i64, scratch_operands = 0 : i64, tpu.core_type = #tpu.core_type<tc>, window_params = [{transform_indices = @transform_0, window_bounds = array<i64: 8000, 64>}, {transform_indices = @transform_1, window_bounds = array<i64: 8000, 64>}, {transform_indices = @transform_2, window_bounds = array<i64: 8000, 128>}]} {
    %get3A = arith.constant 0 : index
    %get3A_0 = arith.constant 0 : index
    %get3A_1 = vector.load %arg1[%get3A, %get3A_0] : memref<8000x64xf32, #tpu.memory_space<vmem>>, vector<8000x64xf32>
    %swap3A = arith.constant 0 : index
    %swap3A_2 = arith.constant 0 : index
    %swap3A_3 = vector.load %arg3[%swap3A, %swap3A_2] : memref<8000x128xf32, #tpu.memory_space<vmem>>, vector<8000x64xf32>
    tpu.vector_store %arg3[%swap3A, %swap3A_2], %get3A_1 {strides = array<i32>} : memref<8000x128xf32, #tpu.memory_space<vmem>>, vector<8000x64xf32>,
    %get3A_4 = arith.constant 0 : index
    %get3A_5 = arith.constant 0 : index
    %get3A_6 = vector.load %arg2[%get3A_4, %get3A_5] : memref<8000x64xf32, #tpu.memory_space<vmem>>, vector<8000x64xf32>
    %swap3A_7 = arith.constant 0 : index
    %swap3A_8 = arith.constant 64 : index
    %swap3A_9 = vector.load %arg3[%swap3A_7, %swap3A_8] : memref<8000x128xf32, #tpu.memory_space<vmem>>, vector<8000x64xf32>
    tpu.vector_store %arg3[%swap3A_7, %swap3A_8], %get3A_6 {strides = array<i32>} : memref<8000x128xf32, #tpu.memory_space<vmem>>, vector<8000x64xf32>,
    return
  }
  func.func @transform_0(%arg0: i32) -> (i32, i32) {
    %c0_i32 = arith.constant 0 : i32
    %c0_i32_0 = arith.constant 0 : i32
    return %arg0, %c0_i32 : i32, i32
  }
  func.func @transform_1(%arg0: i32) -> (i32, i32) {
    %c0_i32 = arith.constant 0 : i32
    %c0_i32_0 = arith.constant 0 : i32
    return %arg0, %c0_i32 : i32, i32
  }
  func.func @transform_2(%arg0: i32) -> (i32, i32) {
    %c0_i32 = arith.constant 0 : i32
    %c0_i32_0 = arith.constant 0 : i32
    return %arg0, %c0_i32 : i32, i32
  }
}

module attributes {stable_mosaic.version = 14 : i64} {
  func.func @_build_tuned_body(%arg0: i32, %arg1: memref<100000x128xf32, #tpu.memory_space<hbm>>, %arg2: memref<4000x64xf32, #tpu.memory_space<vmem>>, %arg3: memref<4000x64xf32, #tpu.memory_space<vmem>>, %arg4: memref<4000x128xf32, #tpu.memory_space<vmem>>) attributes {dimension_semantics = [#tpu.dimension_semantics<arbitrary>], iteration_bounds = array<i64: 5>, scalar_prefetch = 0 : i64, scratch_operands = 0 : i64, tpu.core_type = #tpu.core_type<tc>, window_params = [{}, {transform_indices = @transform_1, window_bounds = array<i64: 4000, 64>}, {transform_indices = @transform_2, window_bounds = array<i64: 4000, 64>}, {transform_indices = @transform_3, window_bounds = array<i64: 4000, 128>}]} {
    %get3A = arith.constant 0 : index
    %get3A_0 = arith.constant 0 : index
    %get3A_1 = vector.load %arg2[%get3A, %get3A_0] : memref<4000x64xf32, #tpu.memory_space<vmem>>, vector<4000x64xf32>
    %swap3A = arith.constant 0 : index
    %swap3A_2 = arith.constant 0 : index
    %swap3A_3 = vector.load %arg4[%swap3A, %swap3A_2] : memref<4000x128xf32, #tpu.memory_space<vmem>>, vector<4000x64xf32>
    tpu.vector_store %arg4[%swap3A, %swap3A_2], %get3A_1 {strides = array<i32>} : memref<4000x128xf32, #tpu.memory_space<vmem>>, vector<4000x64xf32>,
    %get3A_4 = arith.constant 0 : index
    %get3A_5 = arith.constant 0 : index
    %get3A_6 = vector.load %arg3[%get3A_4, %get3A_5] : memref<4000x64xf32, #tpu.memory_space<vmem>>, vector<4000x64xf32>
    %swap3A_7 = arith.constant 0 : index
    %swap3A_8 = arith.constant 64 : index
    %swap3A_9 = vector.load %arg4[%swap3A_7, %swap3A_8] : memref<4000x128xf32, #tpu.memory_space<vmem>>, vector<4000x64xf32>
    tpu.vector_store %arg4[%swap3A_7, %swap3A_8], %get3A_6 {strides = array<i32>} : memref<4000x128xf32, #tpu.memory_space<vmem>>, vector<4000x64xf32>,
    return
  }
  func.func @transform_1(%arg0: i32) -> (i32, i32) {
    %c0_i32 = arith.constant 0 : i32
    %c0_i32_0 = arith.constant 0 : i32
    return %arg0, %c0_i32 : i32, i32
  }
  func.func @transform_2(%arg0: i32) -> (i32, i32) {
    %add3A = arith.constant 20 : i32
    %add3A_0 = arith.addi %add3A, %arg0 : i32
    %c0_i32 = arith.constant 0 : i32
    %c0_i32_1 = arith.constant 0 : i32
    return %add3A_0, %c0_i32 : i32, i32
  }
  func.func @transform_3(%arg0: i32) -> (i32, i32) {
    %add3A = arith.constant 20 : i32
    %add3A_0 = arith.addi %add3A, %arg0 : i32
    %c0_i32 = arith.constant 0 : i32
    %c0_i32_1 = arith.constant 0 : i32
    return %add3A_0, %c0_i32 : i32, i32
  }
}

</mosaic_0001>

<sc_bundles>
// kernel: kernel.6.cloned.1.call-start
scs
__scs_entry_jumppad:
0x0: {  	(pc) =	sbr.rel $0x88, $3  }
0x1: {  	(tag) =	ssettag $0x0;
	lr =	simm.s32 $0x1  }
0x2: {  	[smem:$0x3F9C] =	sst lr;
	_ =	strace $0xD0000000  }
0x3: {  	_ = 	snop  }
0x4: {  	_ = 	snop  }
0x5: {  	_ = 	snop  }
0x6: {  	_ = 	snop  }
0x7: {  	_ = 	snop  }
__scs_overlays_trampoline_lowered:
0x8: {  	[smem:$0x3FAB] =	sst s0  }
0x9: {  	[smem:$0x3FAC] =	sst s1  }
0xa: {  	[smem:$0x3FAD] =	sst s2  }
0xb: {  	[smem:$0x3FAE] =	sst s3  }
0xc: {  	[smem:$0x3FAF] =	sst s4  }
0xd: {  	[smem:$0x3FB0] =	sst s5  }
0xe: {  	[smem:$0x3FB1] =	sst s6  }
0xf: {  	[smem:$0x3FB2] =	sst s7  }
0x10: {  	[smem:$0x3FB3] =	sst s8  }
0x11: {  	[smem:$0x3FB4] =	sst s9;
	s0 =	simm.s32 @!p0 $0x0  }
0x12: {  	s1 =	sld [smem:$0x3F9A];
	s0 =	simm.s32 @p0 $0x1  }
0x13: {  	[smem:$0x3FB5] =	sst s0;
	s0 =	simm.s32 @!p1 $0x0  }
0x14: {  	s2 =	sld [smem:$0x3F99];
	s0 =	simm.s32 @p1 $0x1  }
0x15: {  	[smem:$0x3FB6] =	sst s0;
	s0 =	simm.s32 @!p2 $0x0  }
0x16: {  	s3 =	sld [smem:$0x3FDB];
	s0 =	simm.s32 @p2 $0x1  }
0x17: {  	s4 =	simm.s32 $0x1BF5;
	[smem:$0x3FB8] =	sst s0  }
0x18: {  	s0 =	sld [smem:$0x3F9B];
	_ =	swait.ge [sflag:s4], $0x0  }
0x19: {  	s7 =	sld [smem:$0x3F9C]  }
0x1a: {  	s8 =	sadd.s32 $0xFFFFE003, lr  }
0x1b: {  	s9 =	sadd.s32 $0xFFFFFEF7, lr;
	s5 =	simm.s32 $0xFFFFFFFF;
	p2 =	slt.u32 s8, $0xFFFFF086  }
0x1c: {  	p1 =	slt.u32 s9, $0xF7A;
	s5 =	simm.s32 @!p2 $0x0  }
0x1d: {  	s5 =	simm.s32 @p1 $0x1;
	p0 =	seq.s32 s7, s2  }
0x1e: {  	s7 =	smul.u32 @!p0 $0xF7A, s2;
	p2 =	seq.s32 @!p0 s5, $0x0  }
0x1f: {  	s9 =	smul.u32 $0xF7A, s1;
	s8 =	simm.s32 @!p0 $0x1BF5;
	p2 =	por !p2, p0  }
0x20: {  	[sflag:s8] =	ssyncset.s32 @!p0 $0xFFFFF086;
	s6 =	sadd.s32 @!p0 s3, s7;
	s7 =	simm.s32 @!p0 $0x108  }
0x21: {  	s3 =	sadd.s32 s3, s9;
	s6 =	sadd.s32 @!p0 $0x88, s6;
	s7 =	simm.s32 @p2 $0x1082  }
0x22: {  	[simem:s7], [sflag:s8] =	dma.local @!p0 [hbm:s6], $0xF7A  }
0x23: {  	s9 =	sor.u32 $0xD0000000, s2;
	s6 =	simm.s32 $0x108;
	_ =	swait.ge @!p0 [sflag:s8], $0x0  }
0x24: {  	s3 =	sadd.s32 $0x88, s3;
	s6 =	simm.s32 @!p1 $0x1082;
	[sflag:s4] =	ssyncset.s32 $0xFFFFF086  }
0x25: {  	[simem:s6], [sflag:s4] =	dma.local [hbm:s3], $0xF7A  }
0x26: {  	[smem:$0x3F9C] =	sst s1;
	(tag) =	ssettag s2;
	_ =	strace s9  }
0x27: {  	s1 =	sld [smem:$0x3FAC]  }
0x28: {  	s2 =	sld [smem:$0x3FAD]  }
0x29: {  	s4 =	sld [smem:$0x3FAF]  }
0x2a: {  	p0 =	seq.s32 s5, $0x0;
	s5 =	sld [smem:$0x3FB0]  }
0x2b: {  	s6 =	sld [smem:$0x3FB1]  }
0x2c: {  	s7 =	sld [smem:$0x3FB2]  }
0x2d: {  	s3 =	simm.s32 $0x108;
	s8 =	sld [smem:$0x3FB3]  }
0x2e: {  	s3 =	simm.s32 @!p0 $0x1082;
	s9 =	sld [smem:$0x3FB4]  }
0x2f: {  	lr =	sadd.s32 s0, s3;
	s0 =	sld [smem:$0x3FAB]  }
0x30: {  	s3 =	sld [smem:$0x3FAE]  }
0x31: {  	[smem:$0x3FB7] =	sst s10  }
0x32: {  	s10 =	sld [smem:$0x3FB5];
	_ =	sdelay $0x3  }
0x33: {  	p0 =	seq.s32 s10, $0x1;
	s10 =	sld [smem:$0x3FB7];
	_ =	sdelay $0x3  }
0x34: {  	[smem:$0x3FB7] =	sst s10  }
0x35: {  	s10 =	sld [smem:$0x3FB6];
	_ =	sdelay $0x3  }
0x36: {  	p1 =	seq.s32 s10, $0x1;
	s10 =	sld [smem:$0x3FB7];
	_ =	sdelay $0x3  }
0x37: {  	[smem:$0x3FB7] =	sst s10  }
0x38: {  	s10 =	sld [smem:$0x3FB8]  }
0x39: {  	_ = 	snop;
	(pc) =	sbr.ind lr, $3  }
0x3a: {  	_ = 	snop  }
0x3b: {  	_ = 	snop  }
0x3c: {  	p2 =	seq.s32 s10, $0x1;
	s10 =	sld [smem:$0x3FB7]  }
0x3d: {  	_ =	shalt  }
0x3e: {  	_ =	shalt  }
0x3f: {  	_ =	shalt  }
0x40: {  	_ =	shalt  }
0x41: {  	_ =	shalt  }
0x42: {  	_ =	shalt  }
0x43: {  	_ =	shalt  }
0x44: {  	_ =	shalt  }
0x45: {  	_ =	shalt  }
0x46: {  	_ =	shalt  }
0x47: {  	_ =	shalt  }
0x48: {  	_ =	shalt  }
0x49: {  	_ =	shalt  }
0x4a: {  	_ =	shalt  }
0x4b: {  	_ =	shalt  }
0x4c: {  	_ =	shalt  }
0x4d: {  	_ =	shalt  }
0x4e: {  	_ =	shalt  }
0x4f: {  	_ =	shalt  }
0x50: {  	_ =	shalt  }
0x51: {  	_ =	shalt  }
0x52: {  	_ =	shalt  }
0x53: {  	_ =	shalt  }
0x54: {  	_ =	shalt  }
0x55: {  	_ =	shalt  }
0x56: {  	_ =	shalt  }
0x57: {  	_ =	shalt  }
0x58: {  	_ =	shalt  }
0x59: {  	_ =	shalt  }
0x5a: {  	_ =	shalt  }
0x5b: {  	_ =	shalt  }
0x5c: {  	_ =	shalt  }
0x5d: {  	_ =	shalt  }
0x5e: {  	_ =	shalt  }
0x5f: {  	_ =	shalt  }
0x60: {  	_ =	shalt  }
0x61: {  	_ =	shalt  }
0x62: {  	_ =	shalt  }
0x63: {  	_ =	shalt  }
0x64: {  	_ =	shalt  }
0x65: {  	_ =	shalt  }
0x66: {  	_ =	shalt  }
0x67: {  	_ =	shalt  }
0x68: {  	_ =	shalt  }
0x69: {  	_ =	shalt  }
0x6a: {  	_ =	shalt  }
0x6b: {  	_ =	shalt  }
0x6c: {  	_ =	shalt  }
0x6d: {  	_ =	shalt  }
0x6e: {  	_ =	shalt  }
0x6f: {  	_ =	shalt  }
0x70: {  	_ =	shalt  }
0x71: {  	_ =	shalt  }
0x72: {  	_ =	shalt  }
0x73: {  	_ =	shalt  }
0x74: {  	_ =	shalt  }
0x75: {  	_ =	shalt  }
0x76: {  	_ =	shalt  }
0x77: {  	_ =	shalt  }
0x78: {  	_ =	shalt  }
0x79: {  	_ =	shalt  }
0x7a: {  	_ =	shalt  }
0x7b: {  	_ =	shalt  }
0x7c: {  	_ =	shalt  }
0x7d: {  	_ =	shalt  }
0x7e: {  	_ =	shalt  }
0x7f: {  	_ =	shalt  }
0x80: {  	_ =	shalt  }
0x81: {  	_ =	shalt  }
0x82: {  	_ =	shalt  }
0x83: {  	_ =	shalt  }
0x84: {  	_ =	shalt  }
0x85: {  	_ =	shalt  }
0x86: {  	_ =	shalt  }
0x87: {  	_ =	shalt  }
.Lfunc_end0:
.L_simem_size_0:
called_computation_lowered:
.L_overlay_start_0:
0x88: {  	s2 =	sld [smem:$0x3FD9]  }
0x89: {  	s3 =	sld [smem:$0x3FFE];
	_ =	sdelay $0x1  }
0x8a: {  	s1 =	srdreg.scid  }
0x8b: {  	s0 =	sand.u32 $0x1, s1  }
0x8c: {  	s17 =	sshll.u32 s0, $0xA;
	s2 =	sadd.s32 s3, s2  }
0x8d: {  	s2 =	sadd.s32 s2, s17  }
0x8e: {  	[smem:$0x3FC3] =	sst s2  }
0x8f: {  	_ = 	snop  }
0x90: {  	s2 =	sld [smem:$0x3FC5];
	(tm) =	ssettm $0x1  }
0x91: {  	s18 =	sld [smem:$0x3FFB];
	_ =	sdelay $0x3  }
0x92: {  	_ =	strace s18  }
0x93: {  	s3 =	sld [smem:$0x3FFC];
	_ =	sdelay $0x3  }
0x94: {  	_ =	strace s3  }
0x95: {  	s3 =	sld [smem:$0x3FFD];
	_ =	sdelay $0x3  }
0x96: {  	_ =	strace s3  }
0x97: {  	_ =	strace $0x8FFFFFFF  }
0x98: {  	s19 =	sld [smem:$0x3FDB];
	_ =	sdelay $0x1  }
0x99: {  	s4 =	simm.s32 $_scs_section_size  }
0x9a: {  	s5 =	simm.s32 $_size__tile_overlayer_lowered;
	s6 =	simm.s32 $_tile_overlayer_lowered  }
0x9b: {  	s22 =	simm.s32 $0x1BFF;
	s21 =	sshll.u32 s6, $0x1;
	s3 =	sadd.s32 s4, s19  }
0x9c: {  	s7 =	simm.s32 $0x0;
	s20 =	sshll.u32 s5, $0x1;
	s5 =	sadd.s32 s21, s3  }
0x9d: {  	[timem:s7], [sflag:s22] =	dma.local [hbm:s5], s20  }
0x9e: {  	_ =	swait.ge [sflag:s22], s20  }
0x9f: {  	s4 =	ssub.s32 $0x0, s20;
	[sflag:s22] =	ssyncset.done $0x0  }
0xa0: {  	[sflag:s22] =	ssyncadd.s32 s4;
	_ =	sdelay $0x1  }
0xa1: {  	s23 =	simm.s32 $0x1B8B  }
0xa2: {  	_ =	swait.ge [sflag:s23], $0x1  }
0xa3: {  	[sflag:s23] =	ssyncset.done $0x0  }
0xa4: {  	s25 =	simm.s32 $0x1B8E;
	s24 =	sld [smem:$0x3FFE];
	[sflag:s23] =	ssyncadd.s32 $0xFFFFFFFF  }
0xa5: {  	s26 =	simm.s32 $execute0_lowered;
	[smem:$0x3FD2] =	sst s25  }
0xa6: {  	s5 =	sshll.u32 s26, $0x1;
	_ =	strace $0x80000046;
	[dreg:$0x1] =	wrdreg $0xFFFFFFFF  }
0xa7: {  	s28 =	simm.s32 $_size_execute0_lowered;
	s3 =	sadd.s32 s3, s5;
	[dreg:$0x0] =	wrdreg $0x0  }
0xa8: {  	s5 =	sshll.u32 s28, $0x1;
	[dreg:$0x2] =	wrdreg s3  }
0xa9: {  	[dreg:$0x3] =	wrdreg s5  }
0xaa: {  	[dreg:$0x4] =	wrdreg $0xC0  }
0xab: {  	_ =	task [dreg:s7], $0x5FFFF  }
0xac: {  	[dreg:$0x1] =	wrdreg $0xFFFFFFFF  }
0xad: {  	[dreg:$0x0] =	wrdreg $0x60  }
0xae: {  	[dreg:$0x2] =	wrdreg s24  }
0xaf: {  	[dreg:$0x3] =	wrdreg s2  }
0xb0: {  	[dreg:$0x4] =	wrdreg $0x9  }
0xb1: {  	_ =	task.clear_ibuf [dreg:s7], $0x5FFFF;
	_ =	strace $0x90000046  }
0xb2: {  	s29 =	simm.s32 $0x9;
	_ =	strace $0x80000048  }
0xb3: {  	_ =	swait.ge [sflag:s29], $0x1  }
0xb4: {  	[sflag:s29] =	ssyncadd.s32 $0xFFFFFFFF  }
0xb5: {  	_ =	strace $0x90000048  }
0xb6: {  	_ =	sfence  }
0xb7: {  	s30 =	sld [smem:$0x0];
	_ =	sdelay $0x2  }
0xb8: {  	s31 =	sshll.u32 s1, $0xD;
	s1 =	sshrl.u32 s1, $0x2  }
0xb9: {  	s3 =	sand.u32 $0x4000, s31;
	s1 =	sadd.s32 s1, s30  }
0xba: {  	s0 =	sor.u32 s3, s0;
	s1 =	sshll.u32 s1, $0x11  }
0xbb: {  	s0 =	sor.u32 s1, s0  }
0xbc: {  	s0 =	sadd.s32 $0x8F2B, s0  }
0xbd: {  	[sflag:s0] =	ssyncadd.remote.s32 $0x1  }
0xbe: {  	_ =	sfence.sel $0xFFFF  }
0xbf: {  	[dreg:$0x0] =	wrdreg $0xFFFFFFFF;
	(pc) =	sbr.abs _section_cstart, $3  }
0xc0: {  	[dreg:$0x1] =	wrdreg $0xFFFFFFFF  }
0xc1: {  	_ =	task.clear_ibuf [dreg:s7], $0x2FFFF;
	_ =	strace $0x9FFFFFFF  }
0xc2: {  	(tm) =	ssettm $0x7FFFFFFF  }
0xc3: {  	_ =	shalt  }
tec
execute0_lowered:
.L_overlay_start_1:
0x0: {  	(tag) =	ssettag $0x1  }
0x1: {  	s4 =	rddreg [dreg:$0x0];
	s1 =	srdreg.scid  }
0x2: {  	s0 =	stileid.u32;
	s2 =	rddreg [dreg:$0x1]  }
0x3: {  	s8 =	simm.s32 $0x1900;
	s9 =	simm.s32 $0xDC50;
	s10 =	simm.s32 $0x19FA0  }
0x4: {  	s11 =	simm.s32 $0x3;
	s12 =	simm.s32 $0x1;
	s13 =	simm.s32 $0x2  }
0x5: {  	s14 =	simm.s32 $0x4;
	s5 =	sand.u32 $0x1, s1;
	s3 =	sshll.u32 s0, $0x1  }
0x6: {  	s15 =	simm.s32 $0x0;
	s6 =	sor.u32 s5, s3;
	s3 =	simm.s32 $0x0  }
0x7: {  	s5 =	ssub.s32 $0x2, s5;
	s6 =	smul.u32 $0x320, s6;
	[smem:$0x7FF] =	sst s3  }
0x8: {  	s1 =	rddreg [dreg:$0x2];
	s7 =	sshrl.u32 s5, $0x1;
	_ =	strace $0x80000047  }
0x9: {  	s7 =	ssub.s32 s5, s7;
	s6 =	sadd.s32 s6, s4;
	s4 =	sadd.s32 $0x186A, s2  }
0xa: {  	s7 =	smax.u32 s7, $0x1;
	s5 =	sadd.s32 $0x2400, s6;
	s6 =	sadd.s32 $0x8800, s6  }
.LBB2_1:
0xb: {  	[tilespmem:s8], [sflag:$0x1] =	stream.linear.gather [hbm4b:s2+s3], $0xC350, $0x38;
	[tilespmem:$0x1B8A0] =	vst v63  }
0xc: {  	_ = 	snop  }
0xd: {  	[tilespmem:s9], [sflag:$0x2] =	stream.linear.gather [hbm4b:s4+s3], $0xC350, $0x38;
	[tilespmem:$0x1B8A0] =	vst v63  }
0xe: {  	_ = 	snop  }
0xf: {  	[tilespmem:s10], [sflag:$0x3] =	stream.linear.gather [hbm4b:s5+s3], $0x1900, $0x38;
	[tilespmem:$0x1B8A0] =	vst v63  }
0x10: {  	_ =	swait.ge [sflag:s11], $0x1900  }
0x11: {  	[sflag:s11] =	ssyncset.done $0x0  }
0x12: {  	[sflag:s11] =	ssyncadd.s32 $0xFFFFE700  }
0x13: {  	_ =	swait.ge [sflag:s12], $0xC350  }
0x14: {  	s16 =	simm.s32 $0xFFFFFFFC;
	[sflag:s12] =	ssyncset.done $0x0  }
0x15: {  	s17 =	simm.s32 $0x19FC0;
	s18 =	simm.s32 $0x20;
	[sflag:s12] =	ssyncadd.s32 $0xFFFF3CB0  }
.LBB2_2:
0x16: {  	v0 =	vld [tilespmem:s17+$0xFFFFFFE0];
	_ =	sdelay $0x4  }
0x17: {  	vm0 =	vlt.s32 v0, $0xC34F  }
0x18: {  	v1 =	vnsel vm0, $0xC34F, v0;
	_ =	sdelay $0x4  }
0x19: {  	v1 =	vld.idx.msk [tilespmem:v1+s8+$0x0], $0xffff;
	_ =	sdelay $0x3  }
0x1a: {  	vm9 =	vlt.s32 v0, $0xC350  }
0x1b: {  	v0 =	vnsel vm9, $0x0, v1  }
0x1c: {  	[tilespmem:s18+$0xFFFFFFE0] =	vst v0  }
0x1d: {  	v0 =	vld [tilespmem:s17+$0xFFFFFFF0];
	_ =	sdelay $0x4  }
0x1e: {  	vm10 =	vlt.s32 v0, $0xC34F  }
0x1f: {  	v61 =	vnsel vm10, $0xC34F, v0;
	_ =	sdelay $0x4  }
0x20: {  	v1 =	vld.idx.msk [tilespmem:v61+s8+$0x0], $0xffff;
	_ =	sdelay $0x3  }
0x21: {  	vm11 =	vlt.s32 v0, $0xC350  }
0x22: {  	v0 =	vnsel vm11, $0x0, v1  }
0x23: {  	[tilespmem:s18+$0xFFFFFFF0] =	vst v0  }
0x24: {  	v0 =	vld [tilespmem:s17+$0x0];
	_ =	sdelay $0x4  }
0x25: {  	vm12 =	vlt.s32 v0, $0xC34F  }
0x26: {  	v62 =	vnsel vm12, $0xC34F, v0;
	_ =	sdelay $0x4  }
0x27: {  	v1 =	vld.idx.msk [tilespmem:v62+s8+$0x0], $0xffff;
	_ =	sdelay $0x3  }
0x28: {  	vm13 =	vlt.s32 v0, $0xC350  }
0x29: {  	v0 =	vnsel vm13, $0x0, v1  }
0x2a: {  	[tilespmem:s18+$0x0] =	vst v0  }
0x2b: {  	v0 =	vld [tilespmem:s17+$0x10];
	_ =	sdelay $0x4  }
0x2c: {  	vm14 =	vlt.s32 v0, $0xC34F  }
0x2d: {  	v63 =	vnsel vm14, $0xC34F, v0;
	_ =	sdelay $0x4  }
0x2e: {  	s16 =	sadd.s32 $0x4, s16;
	v1 =	vld.idx.msk [tilespmem:v63+s8+$0x0], $0xffff  }
0x2f: {  	p0 =	slt.u32 s16, $0x18C  }
.Ltmp0:
0x30: {  	_ = 	snop;
	(pc) =	sbr.rel @p0 .LBB2_2-.Ltmp0, $4  }
0x31: {  	_ = 	snop  }
0x32: {  	vm15 =	vlt.s32 v0, $0xC350  }
0x33: {  	v0 =	vnsel vm15, $0x0, v1  }
0x34: {  	s17 =	sadd.s32 $0x40, s17;
	[tilespmem:s18+$0x10] =	vst v0;
	s18 =	sadd.s32 $0x40, s18  }
0x35: {  	_ =	swait.ge [sflag:s13], $0xC350  }
0x36: {  	s16 =	simm.s32 $0xFFFFFFFC;
	[sflag:s13] =	ssyncset.done $0x0  }
0x37: {  	s17 =	simm.s32 $0x19FC0;
	s18 =	simm.s32 $0x20;
	[sflag:s13] =	ssyncadd.s32 $0xFFFF3CB0  }
.LBB2_4:
0x38: {  	v0 =	vld [tilespmem:s17+$0xFFFFFFE0];
	_ =	sdelay $0x4  }
0x39: {  	v0 =	vadd.s32 $0xFFFF3CB0, v0  }
0x3a: {  	vm0 =	vlt.s32 v0, $0x0  }
0x3b: {  	v0 =	vsel vm0, $0x0, v0;
	_ =	sdelay $0x3  }
0x3c: {  	v1 =	vld [tilespmem:s18+$0xFFFFFFE0]  }
0x3d: {  	v0 =	vld.idx.msk [tilespmem:v0+s9+$0x0], $0xffff;
	_ =	sdelay $0x4  }
0x3e: {  	v0 =	vsel vm0, v1, v0  }
0x3f: {  	[tilespmem:s18+$0xFFFFFFE0] =	vst v0  }
0x40: {  	v0 =	vld [tilespmem:s17+$0xFFFFFFF0];
	_ =	sdelay $0x4  }
0x41: {  	v0 =	vadd.s32 $0xFFFF3CB0, v0  }
0x42: {  	vm13 =	vlt.s32 v0, $0x0  }
0x43: {  	v0 =	vsel vm13, $0x0, v0;
	_ =	sdelay $0x3  }
0x44: {  	v61 =	vld [tilespmem:s18+$0xFFFFFFF0]  }
0x45: {  	v0 =	vld.idx.msk [tilespmem:v0+s9+$0x0], $0xffff;
	_ =	sdelay $0x4  }
0x46: {  	v0 =	vsel vm13, v61, v0  }
0x47: {  	[tilespmem:s18+$0xFFFFFFF0] =	vst v0  }
0x48: {  	v0 =	vld [tilespmem:s17+$0x0];
	_ =	sdelay $0x4  }
0x49: {  	v0 =	vadd.s32 $0xFFFF3CB0, v0  }
0x4a: {  	vm14 =	vlt.s32 v0, $0x0  }
0x4b: {  	v0 =	vsel vm14, $0x0, v0;
	_ =	sdelay $0x3  }
0x4c: {  	v62 =	vld [tilespmem:s18+$0x0]  }
0x4d: {  	v0 =	vld.idx.msk [tilespmem:v0+s9+$0x0], $0xffff;
	_ =	sdelay $0x4  }
0x4e: {  	v0 =	vsel vm14, v62, v0  }
0x4f: {  	[tilespmem:s18+$0x0] =	vst v0  }
0x50: {  	v0 =	vld [tilespmem:s17+$0x10];
	_ =	sdelay $0x4  }
0x51: {  	v0 =	vadd.s32 $0xFFFF3CB0, v0  }
0x52: {  	vm15 =	vlt.s32 v0, $0x0  }
0x53: {  	v0 =	vsel vm15, $0x0, v0;
	_ =	sdelay $0x3  }
0x54: {  	v63 =	vld [tilespmem:s18+$0x10]  }
0x55: {  	s16 =	sadd.s32 $0x4, s16;
	v0 =	vld.idx.msk [tilespmem:v0+s9+$0x0], $0xffff  }
0x56: {  	p0 =	slt.u32 s16, $0x18C  }
.Ltmp1:
0x57: {  	_ = 	snop;
	(pc) =	sbr.rel @p0 .LBB2_4-.Ltmp1, $3  }
0x58: {  	_ =	sdelay $0x1  }
0x59: {  	v0 =	vsel vm15, v63, v0  }
0x5a: {  	s17 =	sadd.s32 $0x40, s17;
	[tilespmem:s18+$0x10] =	vst v0;
	s18 =	sadd.s32 $0x40, s18  }
0x5b: {  	s15 =	sadd.s32 $0x1, s15  }
0x5c: {  	p0 =	sne.s32 s15, s7  }
.Ltmp2:
0x5d: {  	_ = 	snop;
	(pc) =	sbr.rel @p0 .LBB2_1-.Ltmp2, $4  }
0x5e: {  	[hbm4b:s6+s3] =	stream.linear.scatter [tilespmem:s3], [sflag:$0x4], $0x1900, $0x38;
	[tilespmem:$0x1B8A0] =	vst v63  }
0x5f: {  	_ =	swait.ge [sflag:s14], $0x1900  }
0x60: {  	[sflag:s14] =	ssyncset.done $0x0  }
0x61: {  	[sflag:s14] =	ssyncadd.s32 $0xFFFFE700  }
0x62: {  	_ =	sfence.sel $0x180000  }
0x63: {  	[bflag:$0x0] =	sbarrier.arrive $0xFFFF  }
0x64: {  	p0 =	sne.s32 s0, $0x0;
	_ =	strace $0x90000047  }
0x65: {  	s0 =	sadd.s32 @!p0 $0x100000, s1;
	[bflag:$0x2] =	sbarrier.arrive $0xFFFF  }
0x66: {  	[sflag:s0] =	ssyncadd.tile.s32 @!p0 $0x1;
	_ =	shalt  }
.Lfunc_end2:
_tile_overlayer_lowered:
.L_overlay_start_2:
0x67: {  	(tag) =	ssettag $0x2  }
0x68: {  	s0 =	rddreg [dreg:$0x0];
	s2 =	stileid.u32  }
0x69: {  	s1 =	rddreg [dreg:$0x1];
	p0 =	sne.s32 s2, $0x0  }
0x6a: {  	s3 =	rddreg [dreg:$0x2];
	[bflag:$0x3] =	sbarrier.arrive $0xFFFF;
	s2 =	simm.s32 @!p0 $0x1C04  }
0x6b: {  	[timem:s3], [sflag:s2] =	dma.local @!p0 [hbm:s0], s1  }
0x6c: {  	s0 =	simm.s32 @!p0 $0x4  }
0x6d: {  	_ =	swait.ge @!p0 [sflag:s0], s1  }
0x6e: {  	s1 =	ssub.s32 @!p0 $0x0, s1;
	[sflag:s0] =	ssyncset.done @!p0 $0x0  }
0x6f: {  	[sflag:s0] =	ssyncadd.s32 @!p0 s1  }
0x70: {  	[bflag:$0x3] =	sbarrier.arrive $0xFFFF  }
0x71: {  	_ =	shalt  }

// kernel: kernel.9.cloned.1.call-start
scs
__scs_entry_jumppad:
0x0: {  	(pc) =	sbr.rel $0x88, $3  }
0x1: {  	(tag) =	ssettag $0x0;
	lr =	simm.s32 $0x1  }
0x2: {  	[smem:$0x3F9C] =	sst lr;
	_ =	strace $0xD0000000  }
0x3: {  	_ = 	snop  }
0x4: {  	_ = 	snop  }
0x5: {  	_ = 	snop  }
0x6: {  	_ = 	snop  }
0x7: {  	_ = 	snop  }
__scs_overlays_trampoline_lowered:
0x8: {  	[smem:$0x3FAB] =	sst s0  }
0x9: {  	[smem:$0x3FAC] =	sst s1  }
0xa: {  	[smem:$0x3FAD] =	sst s2  }
0xb: {  	[smem:$0x3FAE] =	sst s3  }
0xc: {  	[smem:$0x3FAF] =	sst s4  }
0xd: {  	[smem:$0x3FB0] =	sst s5  }
0xe: {  	[smem:$0x3FB1] =	sst s6  }
0xf: {  	[smem:$0x3FB2] =	sst s7  }
0x10: {  	[smem:$0x3FB3] =	sst s8  }
0x11: {  	[smem:$0x3FB4] =	sst s9;
	s0 =	simm.s32 @!p0 $0x0  }
0x12: {  	s1 =	sld [smem:$0x3F9A];
	s0 =	simm.s32 @p0 $0x1  }
0x13: {  	[smem:$0x3FB5] =	sst s0;
	s0 =	simm.s32 @!p1 $0x0  }
0x14: {  	s2 =	sld [smem:$0x3F99];
	s0 =	simm.s32 @p1 $0x1  }
0x15: {  	[smem:$0x3FB6] =	sst s0;
	s0 =	simm.s32 @!p2 $0x0  }
0x16: {  	s3 =	sld [smem:$0x3FDB];
	s0 =	simm.s32 @p2 $0x1  }
0x17: {  	s4 =	simm.s32 $0x1BF5;
	[smem:$0x3FB8] =	sst s0  }
0x18: {  	s0 =	sld [smem:$0x3F9B];
	_ =	swait.ge [sflag:s4], $0x0  }
0x19: {  	s7 =	sld [smem:$0x3F9C]  }
0x1a: {  	s8 =	sadd.s32 $0xFFFFE003, lr  }
0x1b: {  	s9 =	sadd.s32 $0xFFFFFEF7, lr;
	s5 =	simm.s32 $0xFFFFFFFF;
	p2 =	slt.u32 s8, $0xFFFFF086  }
0x1c: {  	p1 =	slt.u32 s9, $0xF7A;
	s5 =	simm.s32 @!p2 $0x0  }
0x1d: {  	s5 =	simm.s32 @p1 $0x1;
	p0 =	seq.s32 s7, s2  }
0x1e: {  	s7 =	smul.u32 @!p0 $0xF7A, s2;
	p2 =	seq.s32 @!p0 s5, $0x0  }
0x1f: {  	s9 =	smul.u32 $0xF7A, s1;
	s8 =	simm.s32 @!p0 $0x1BF5;
	p2 =	por !p2, p0  }
0x20: {  	[sflag:s8] =	ssyncset.s32 @!p0 $0xFFFFF086;
	s6 =	sadd.s32 @!p0 s3, s7;
	s7 =	simm.s32 @!p0 $0x108  }
0x21: {  	s3 =	sadd.s32 s3, s9;
	s6 =	sadd.s32 @!p0 $0x88, s6;
	s7 =	simm.s32 @p2 $0x1082  }
0x22: {  	[simem:s7], [sflag:s8] =	dma.local @!p0 [hbm:s6], $0xF7A  }
0x23: {  	s9 =	sor.u32 $0xD0000000, s2;
	s6 =	simm.s32 $0x108;
	_ =	swait.ge @!p0 [sflag:s8], $0x0  }
0x24: {  	s3 =	sadd.s32 $0x88, s3;
	s6 =	simm.s32 @!p1 $0x1082;
	[sflag:s4] =	ssyncset.s32 $0xFFFFF086  }
0x25: {  	[simem:s6], [sflag:s4] =	dma.local [hbm:s3], $0xF7A  }
0x26: {  	[smem:$0x3F9C] =	sst s1;
	(tag) =	ssettag s2;
	_ =	strace s9  }
0x27: {  	s1 =	sld [smem:$0x3FAC]  }
0x28: {  	s2 =	sld [smem:$0x3FAD]  }
0x29: {  	s4 =	sld [smem:$0x3FAF]  }
0x2a: {  	p0 =	seq.s32 s5, $0x0;
	s5 =	sld [smem:$0x3FB0]  }
0x2b: {  	s6 =	sld [smem:$0x3FB1]  }
0x2c: {  	s7 =	sld [smem:$0x3FB2]  }
0x2d: {  	s3 =	simm.s32 $0x108;
	s8 =	sld [smem:$0x3FB3]  }
0x2e: {  	s3 =	simm.s32 @!p0 $0x1082;
	s9 =	sld [smem:$0x3FB4]  }
0x2f: {  	lr =	sadd.s32 s0, s3;
	s0 =	sld [smem:$0x3FAB]  }
0x30: {  	s3 =	sld [smem:$0x3FAE]  }
0x31: {  	[smem:$0x3FB7] =	sst s10  }
0x32: {  	s10 =	sld [smem:$0x3FB5];
	_ =	sdelay $0x3  }
0x33: {  	p0 =	seq.s32 s10, $0x1;
	s10 =	sld [smem:$0x3FB7];
	_ =	sdelay $0x3  }
0x34: {  	[smem:$0x3FB7] =	sst s10  }
0x35: {  	s10 =	sld [smem:$0x3FB6];
	_ =	sdelay $0x3  }
0x36: {  	p1 =	seq.s32 s10, $0x1;
	s10 =	sld [smem:$0x3FB7];
	_ =	sdelay $0x3  }
0x37: {  	[smem:$0x3FB7] =	sst s10  }
0x38: {  	s10 =	sld [smem:$0x3FB8]  }
0x39: {  	_ = 	snop;
	(pc) =	sbr.ind lr, $3  }
0x3a: {  	_ = 	snop  }
0x3b: {  	_ = 	snop  }
0x3c: {  	p2 =	seq.s32 s10, $0x1;
	s10 =	sld [smem:$0x3FB7]  }
0x3d: {  	_ =	shalt  }
0x3e: {  	_ =	shalt  }
0x3f: {  	_ =	shalt  }
0x40: {  	_ =	shalt  }
0x41: {  	_ =	shalt  }
0x42: {  	_ =	shalt  }
0x43: {  	_ =	shalt  }
0x44: {  	_ =	shalt  }
0x45: {  	_ =	shalt  }
0x46: {  	_ =	shalt  }
0x47: {  	_ =	shalt  }
0x48: {  	_ =	shalt  }
0x49: {  	_ =	shalt  }
0x4a: {  	_ =	shalt  }
0x4b: {  	_ =	shalt  }
0x4c: {  	_ =	shalt  }
0x4d: {  	_ =	shalt  }
0x4e: {  	_ =	shalt  }
0x4f: {  	_ =	shalt  }
0x50: {  	_ =	shalt  }
0x51: {  	_ =	shalt  }
0x52: {  	_ =	shalt  }
0x53: {  	_ =	shalt  }
0x54: {  	_ =	shalt  }
0x55: {  	_ =	shalt  }
0x56: {  	_ =	shalt  }
0x57: {  	_ =	shalt  }
0x58: {  	_ =	shalt  }
0x59: {  	_ =	shalt  }
0x5a: {  	_ =	shalt  }
0x5b: {  	_ =	shalt  }
0x5c: {  	_ =	shalt  }
0x5d: {  	_ =	shalt  }
0x5e: {  	_ =	shalt  }
0x5f: {  	_ =	shalt  }
0x60: {  	_ =	shalt  }
0x61: {  	_ =	shalt  }
0x62: {  	_ =	shalt  }
0x63: {  	_ =	shalt  }
0x64: {  	_ =	shalt  }
0x65: {  	_ =	shalt  }
0x66: {  	_ =	shalt  }
0x67: {  	_ =	shalt  }
0x68: {  	_ =	shalt  }
0x69: {  	_ =	shalt  }
0x6a: {  	_ =	shalt  }
0x6b: {  	_ =	shalt  }
0x6c: {  	_ =	shalt  }
0x6d: {  	_ =	shalt  }
0x6e: {  	_ =	shalt  }
0x6f: {  	_ =	shalt  }
0x70: {  	_ =	shalt  }
0x71: {  	_ =	shalt  }
0x72: {  	_ =	shalt  }
0x73: {  	_ =	shalt  }
0x74: {  	_ =	shalt  }
0x75: {  	_ =	shalt  }
0x76: {  	_ =	shalt  }
0x77: {  	_ =	shalt  }
0x78: {  	_ =	shalt  }
0x79: {  	_ =	shalt  }
0x7a: {  	_ =	shalt  }
0x7b: {  	_ =	shalt  }
0x7c: {  	_ =	shalt  }
0x7d: {  	_ =	shalt  }
0x7e: {  	_ =	shalt  }
0x7f: {  	_ =	shalt  }
0x80: {  	_ =	shalt  }
0x81: {  	_ =	shalt  }
0x82: {  	_ =	shalt  }
0x83: {  	_ =	shalt  }
0x84: {  	_ =	shalt  }
0x85: {  	_ =	shalt  }
0x86: {  	_ =	shalt  }
0x87: {  	_ =	shalt  }
.Lfunc_end0:
.L_simem_size_0:
called_computation.1_lowered:
.L_overlay_start_0:
0x88: {  	s2 =	sld [smem:$0x3FD9]  }
0x89: {  	s3 =	sld [smem:$0x3FFE];
	_ =	sdelay $0x1  }
0x8a: {  	s1 =	srdreg.scid  }
0x8b: {  	s0 =	sand.u32 $0x1, s1  }
0x8c: {  	s17 =	sshll.u32 s0, $0xA;
	s2 =	sadd.s32 s3, s2  }
0x8d: {  	s2 =	sadd.s32 s2, s17  }
0x8e: {  	[smem:$0x3FC3] =	sst s2  }
0x8f: {  	_ = 	snop  }
0x90: {  	s2 =	sld [smem:$0x3FD0];
	(tm) =	ssettm $0x1  }
0x91: {  	s18 =	sld [smem:$0x3FFB];
	_ =	sdelay $0x3  }
0x92: {  	_ =	strace s18  }
0x93: {  	s3 =	sld [smem:$0x3FFC];
	_ =	sdelay $0x3  }
0x94: {  	_ =	strace s3  }
0x95: {  	s3 =	sld [smem:$0x3FFD];
	_ =	sdelay $0x3  }
0x96: {  	_ =	strace s3  }
0x97: {  	_ =	strace $0x8FFFFFFF  }
0x98: {  	s19 =	sld [smem:$0x3FDB];
	_ =	sdelay $0x1  }
0x99: {  	s4 =	simm.s32 $_scs_section_size  }
0x9a: {  	s5 =	simm.s32 $_size__tile_overlayer_lowered;
	s6 =	simm.s32 $_tile_overlayer_lowered  }
0x9b: {  	s22 =	simm.s32 $0x1BFF;
	s21 =	sshll.u32 s6, $0x1;
	s3 =	sadd.s32 s4, s19  }
0x9c: {  	s7 =	simm.s32 $0x0;
	s20 =	sshll.u32 s5, $0x1;
	s5 =	sadd.s32 s21, s3  }
0x9d: {  	[timem:s7], [sflag:s22] =	dma.local [hbm:s5], s20  }
0x9e: {  	_ =	swait.ge [sflag:s22], s20  }
0x9f: {  	s4 =	ssub.s32 $0x0, s20;
	[sflag:s22] =	ssyncset.done $0x0  }
0xa0: {  	[sflag:s22] =	ssyncadd.s32 s4;
	_ =	sdelay $0x1  }
0xa1: {  	s23 =	simm.s32 $0x1B8B  }
0xa2: {  	_ =	swait.ge [sflag:s23], $0x1  }
0xa3: {  	[sflag:s23] =	ssyncset.done $0x0  }
0xa4: {  	s25 =	simm.s32 $0x1B8E;
	s24 =	sld [smem:$0x3FFE];
	[sflag:s23] =	ssyncadd.s32 $0xFFFFFFFF  }
0xa5: {  	s26 =	simm.s32 $execute0_lowered;
	[smem:$0x3FD2] =	sst s25  }
0xa6: {  	s5 =	sshll.u32 s26, $0x1;
	_ =	strace $0x80000049;
	[dreg:$0x1] =	wrdreg $0xFFFFFFFF  }
0xa7: {  	s28 =	simm.s32 $_size_execute0_lowered;
	s3 =	sadd.s32 s3, s5;
	[dreg:$0x0] =	wrdreg $0x0  }
0xa8: {  	s5 =	sshll.u32 s28, $0x1;
	[dreg:$0x2] =	wrdreg s3  }
0xa9: {  	[dreg:$0x3] =	wrdreg s5  }
0xaa: {  	[dreg:$0x4] =	wrdreg $0xC0  }
0xab: {  	_ =	task [dreg:s7], $0x5FFFF  }
0xac: {  	[dreg:$0x1] =	wrdreg $0xFFFFFFFF  }
0xad: {  	[dreg:$0x0] =	wrdreg $0x60  }
0xae: {  	[dreg:$0x2] =	wrdreg s24  }
0xaf: {  	[dreg:$0x3] =	wrdreg s2  }
0xb0: {  	[dreg:$0x4] =	wrdreg $0x9  }
0xb1: {  	_ =	task.clear_ibuf [dreg:s7], $0x5FFFF;
	_ =	strace $0x90000049  }
0xb2: {  	s29 =	simm.s32 $0x9;
	_ =	strace $0x8000004B  }
0xb3: {  	_ =	swait.ge [sflag:s29], $0x1  }
0xb4: {  	[sflag:s29] =	ssyncadd.s32 $0xFFFFFFFF  }
0xb5: {  	_ =	strace $0x9000004B  }
0xb6: {  	_ =	sfence  }
0xb7: {  	s30 =	sld [smem:$0x0];
	_ =	sdelay $0x2  }
0xb8: {  	s31 =	sshll.u32 s1, $0xD;
	s1 =	sshrl.u32 s1, $0x2  }
0xb9: {  	s3 =	sand.u32 $0x4000, s31;
	s1 =	sadd.s32 s1, s30  }
0xba: {  	s0 =	sor.u32 s3, s0;
	s1 =	sshll.u32 s1, $0x11  }
0xbb: {  	s0 =	sor.u32 s1, s0  }
0xbc: {  	s0 =	sadd.s32 $0x8F2B, s0  }
0xbd: {  	[sflag:s0] =	ssyncadd.remote.s32 $0x1  }
0xbe: {  	_ =	sfence.sel $0xFFFF  }
0xbf: {  	[dreg:$0x0] =	wrdreg $0xFFFFFFFF;
	(pc) =	sbr.abs _section_cstart, $3  }
0xc0: {  	[dreg:$0x1] =	wrdreg $0xFFFFFFFF  }
0xc1: {  	_ =	task.clear_ibuf [dreg:s7], $0x2FFFF;
	_ =	strace $0x9FFFFFFF  }
0xc2: {  	(tm) =	ssettm $0x7FFFFFFF  }
0xc3: {  	_ =	shalt  }
tec
execute0_lowered:
.L_overlay_start_1:
0x0: {  	(tag) =	ssettag $0x1  }
0x1: {  	s1 =	srdreg.scid  }
0x2: {  	s0 =	stileid.u32;
	s3 =	rddreg [dreg:$0x0]  }
0x3: {  	s7 =	rddreg [dreg:$0x1];
	s2 =	simm.s32 $0x0;
	s12 =	simm.s32 $0x1900  }
0x4: {  	s13 =	simm.s32 $0x1;
	s14 =	simm.s32 $0x5900;
	s15 =	simm.s32 $0x2  }
0x5: {  	s16 =	simm.s32 $0x3;
	s17 =	simm.s32 $0x4;
	s4 =	sand.u32 $0x1, s1  }
0x6: {  	s29 =	sshll.u32 s0, $0x1;
	s1 =	rddreg [dreg:$0x2];
	s10 =	smul.u32 $0x3200, s0  }
0x7: {  	s5 =	sor.u32 s4, s29;
	s9 =	ssub.s32 $0x2, s4;
	s4 =	smul.u32 $0x1900, s4  }
0x8: {  	s18 =	simm.s32 $0x0;
	[smem:$0x7FF] =	sst s2;
	s6 =	smul.u32 $0x1900, s5  }
0x9: {  	_ =	strace $0x8000004A;
	s8 =	smul.u32 $0xC8000, s5;
	s11 =	sshrl.u32 s9, $0x1  }
0xa: {  	s5 =	smul.u32 $0x19000, s5;
	s9 =	ssub.s32 s9, s11;
	s10 =	sadd.s32 s4, s10  }
0xb: {  	s11 =	simm.s32 $0x80;
	s6 =	sshrl.u32 s6, $0x3;
	s8 =	sshrl.u32 s8, $0x3  }
0xc: {  	s31 =	sshll.u32 s10, $0x4;
	s5 =	sadd.s32 s7, s5;
	s6 =	sadd.s32 s6, s3  }
0xd: {  	s3 =	sadd.s32 $0x147400, s3;
	s30 =	sadd.s32 s7, s8;
	s10 =	sadd.s32 s7, s31  }
0xe: {  	s7 =	smax.u32 s9, $0x1;
	s4 =	sadd.s32 $0x8800, s6;
	s6 =	sadd.s32 $0x18800, s30  }
0xf: {  	s8 =	sadd.s32 $0x800, s10;
	s9 =	sadd.s32 $0x1000, s10;
	s10 =	simm.s32 $0x5  }
.LBB2_1:
0x10: {  	[tilespmem:s2], [sflag:$0x5] =	stream.linear.gather [hbm4b:s4+s2], $0x1900, $0x38;
	[tilespmem:$0x9900] =	vst v63  }
0x11: {  	_ =	swait.ge [sflag:s10], $0x1900  }
0x12: {  	[sflag:s10] =	ssyncset.done $0x0  }
0x13: {  	[sflag:s10] =	ssyncadd.s32 $0xFFFFE700  }
0x14: {  	[tilespmem:s12], [sflag:$0x1] =	stream.indirect.gather [hbm4b:s3+s11], $0x80, s2, s11, $0xb8;
	[tilespmem:$0x9900] =	vst v63  }
0x15: {  	_ =	swait.ge [sflag:s13], $0x4000  }
0x16: {  	[sflag:s13] =	ssyncset.done $0x0  }
0x17: {  	[sflag:s13] =	ssyncadd.s32 $0xFFFFC000  }
0x18: {  	[tilespmem:s14], [sflag:$0x2] =	stream.indirect.gather [hbm4b:s3+s11], $0x80, s11, s11, $0xb8;
	[tilespmem:$0x9900] =	vst v63  }
0x19: {  	_ = 	snop  }
0x1a: {  	[hbm4b:s5+s2] =	stream.linear.scatter [tilespmem:s12], [sflag:$0x3], $0x4000, $0x38;
	[tilespmem:$0x9900] =	vst v63  }
0x1b: {  	_ =	swait.ge [sflag:s15], $0x4000  }
0x1c: {  	[sflag:s15] =	ssyncset.done $0x0  }
0x1d: {  	[sflag:s15] =	ssyncadd.s32 $0xFFFFC000  }
0x1e: {  	_ =	swait.ge [sflag:s16], $0x4000  }
0x1f: {  	[sflag:s16] =	ssyncset.done $0x0  }
0x20: {  	s19 =	simm.s32 $0x100;
	[sflag:s16] =	ssyncadd.s32 $0xFFFFC000  }
0x21: {  	[tilespmem:s12], [sflag:$0x1] =	stream.indirect.gather [hbm4b:s3+s11], $0x80, s19, s11, $0xb8;
	[tilespmem:$0x9900] =	vst v63  }
0x22: {  	s30 =	sadd.s32 $0x0, s8  }
0x23: {  	[hbm4b:s30+s2] =	stream.linear.scatter [tilespmem:s14], [sflag:$0x4], $0x4000, $0x38;
	[tilespmem:$0x9900] =	vst v63  }
0x24: {  	_ =	swait.ge [sflag:s13], $0x4000  }
0x25: {  	[sflag:s13] =	ssyncset.done $0x0  }
0x26: {  	[sflag:s13] =	ssyncadd.s32 $0xFFFFC000  }
0x27: {  	_ =	swait.ge [sflag:s17], $0x4000  }
0x28: {  	s31 =	simm.s32 $0x180;
	s21 =	sadd.s32 $0x0, s9;
	[sflag:s17] =	ssyncset.done $0x0  }
0x29: {  	s20 =	simm.s32 $0x280;
	s19 =	simm.s32 $0x1000;
	[sflag:s17] =	ssyncadd.s32 $0xFFFFC000  }
0x2a: {  	[tilespmem:s14], [sflag:$0x2] =	stream.indirect.gather [hbm4b:s3+s11], $0x80, s31, s11, $0xb8;
	[tilespmem:$0x9900] =	vst v63  }
.LBB2_2:
0x2b: {  	[hbm4b:s21+s2] =	stream.linear.scatter [tilespmem:s12], [sflag:$0x3], $0x4000, $0x38;
	[tilespmem:$0x9900] =	vst v63  }
0x2c: {  	s21 =	smov.u32 s19  }
0x2d: {  	p0 =	sne.s32 s19, $0x17000;
	s19 =	sadd.s32 $0x1000, s19;
	_ =	swait.ge [sflag:s15], $0x4000  }
0x2e: {  	[sflag:s15] =	ssyncset.done $0x0  }
0x2f: {  	[sflag:s15] =	ssyncadd.s32 $0xFFFFC000  }
0x30: {  	_ =	swait.ge [sflag:s16], $0x4000  }
0x31: {  	[sflag:s16] =	ssyncset.done $0x0  }
0x32: {  	s22 =	sadd.s32 $0xFFFFFF80, s20;
	[sflag:s16] =	ssyncadd.s32 $0xFFFFC000  }
0x33: {  	[tilespmem:s12], [sflag:$0x1] =	stream.indirect.gather [hbm4b:s3+s11], $0x80, s22, s11, $0xb8;
	[tilespmem:$0x9900] =	vst v63  }
0x34: {  	s22 =	sadd.s32 s21, s8  }
0x35: {  	[hbm4b:s22+s2] =	stream.linear.scatter [tilespmem:s14], [sflag:$0x4], $0x4000, $0x38;
	[tilespmem:$0x9900] =	vst v63  }
0x36: {  	_ =	swait.ge [sflag:s13], $0x4000  }
0x37: {  	[sflag:s13] =	ssyncset.done $0x0  }
0x38: {  	[sflag:s13] =	ssyncadd.s32 $0xFFFFC000  }
.Ltmp0:
0x39: {  	_ =	swait.ge [sflag:s17], $0x4000;
	(pc) =	sbr.rel @p0 .LBB2_2-.Ltmp0, $4  }
0x3a: {  	[sflag:s17] =	ssyncset.done $0x0  }
0x3b: {  	[sflag:s17] =	ssyncadd.s32 $0xFFFFC000  }
0x3c: {  	[tilespmem:s14], [sflag:$0x2] =	stream.indirect.gather [hbm4b:s3+s11], $0x80, s20, s11, $0xb8;
	[tilespmem:$0x9900] =	vst v63  }
0x3d: {  	s21 =	sadd.s32 s21, s9;
	s20 =	sadd.s32 $0x100, s20  }
0x3e: {  	[hbm4b:s21+s2] =	stream.linear.scatter [tilespmem:s12], [sflag:$0x3], $0x4000, $0x38;
	[tilespmem:$0x9900] =	vst v63  }
0x3f: {  	_ =	swait.ge [sflag:s15], $0x4000  }
0x40: {  	[sflag:s15] =	ssyncset.done $0x0  }
0x41: {  	[sflag:s15] =	ssyncadd.s32 $0xFFFFC000  }
0x42: {  	s18 =	sadd.s32 $0x1, s18;
	_ =	swait.ge [sflag:s16], $0x4000  }
0x43: {  	p0 =	sne.s32 s18, s7;
	[sflag:s16] =	ssyncset.done $0x0  }
.Ltmp1:
0x44: {  	[sflag:s16] =	ssyncadd.s32 $0xFFFFC000;
	(pc) =	sbr.rel @p0 .LBB2_1-.Ltmp1, $4  }
0x45: {  	[hbm4b:s6+s2] =	stream.linear.scatter [tilespmem:s14], [sflag:$0x4], $0x4000, $0x38;
	[tilespmem:$0x9900] =	vst v63  }
0x46: {  	_ =	swait.ge [sflag:s17], $0x4000  }
0x47: {  	[sflag:s17] =	ssyncset.done $0x0  }
0x48: {  	[sflag:s17] =	ssyncadd.s32 $0xFFFFC000  }
0x49: {  	_ =	sfence.sel $0x180000  }
0x4a: {  	[bflag:$0x0] =	sbarrier.arrive $0xFFFF  }
0x4b: {  	p0 =	sne.s32 s0, $0x0;
	_ =	strace $0x9000004A  }
0x4c: {  	s0 =	sadd.s32 @!p0 $0x100000, s1;
	[bflag:$0x2] =	sbarrier.arrive $0xFFFF  }
0x4d: {  	[sflag:s0] =	ssyncadd.tile.s32 @!p0 $0x1;
	_ =	shalt  }
.Lfunc_end2:
_tile_overlayer_lowered:
.L_overlay_start_2:
0x4e: {  	(tag) =	ssettag $0x2  }
0x4f: {  	s0 =	rddreg [dreg:$0x0];
	s2 =	stileid.u32  }
0x50: {  	s1 =	rddreg [dreg:$0x1];
	p0 =	sne.s32 s2, $0x0  }
0x51: {  	s3 =	rddreg [dreg:$0x2];
	[bflag:$0x3] =	sbarrier.arrive $0xFFFF;
	s2 =	simm.s32 @!p0 $0x1C05  }
0x52: {  	[timem:s3], [sflag:s2] =	dma.local @!p0 [hbm:s0], s1  }
0x53: {  	s0 =	simm.s32 @!p0 $0x5  }
0x54: {  	_ =	swait.ge @!p0 [sflag:s0], s1  }
0x55: {  	s1 =	ssub.s32 @!p0 $0x0, s1;
	[sflag:s0] =	ssyncset.done @!p0 $0x0  }
0x56: {  	[sflag:s0] =	ssyncadd.s32 @!p0 s1  }
0x57: {  	[bflag:$0x3] =	sbarrier.arrive $0xFFFF  }
0x58: {  	_ =	shalt  }

</sc_bundles>
